<compile_context>
chip_gen: v7x
topology: tpu7x:2x2x1
jax: 0.10.2.dev20260603
libtpu: 0.0.44.dev20260713+nightly
codegen_flags: <defaults>
</compile_context>

<pallas_src>
import functools

import jax
import jax.numpy as jnp
from jax import lax
from jax.experimental import pallas as pl
from jax.experimental.pallas import tpu as pltpu

E = 8
H = 1024
I = 2048
BT = 256
NT = 24
ROWS = NT * BT
TBLK = 256
MM_DTYPE = jnp.bfloat16


def _router_body(x_ref, gw_ref, sel_ref, i1_ref, i2_ref, w0_ref, w1_ref):
    xb = x_ref[...]
    gw = gw_ref[...]
    l = lax.dot_general(xb, gw, (((1,), (1,)), ((), ())),
                        preferred_element_type=jnp.float32)
    m = jnp.max(l, axis=1, keepdims=True)
    q = jnp.exp(l - m)
    ii = lax.broadcasted_iota(jnp.int32, l.shape, 1)
    m1 = jnp.max(q, axis=1, keepdims=True)
    i1 = jnp.min(jnp.where(q == m1, ii, E), axis=1, keepdims=True)
    q2 = jnp.where(ii == i1, -1.0, q)
    m2 = jnp.max(q2, axis=1, keepdims=True)
    i2 = jnp.min(jnp.where(q2 == m2, ii, E), axis=1, keepdims=True)
    s = m1 + m2
    sel_ref[...] = jnp.where((ii == i1) | (ii == i2), 1.0, 0.0)
    i1_ref[...] = jnp.broadcast_to(i1, l.shape)
    i2_ref[...] = jnp.broadcast_to(i2, l.shape)
    w0_ref[...] = jnp.broadcast_to(m1 / s, l.shape)
    w1_ref[...] = jnp.broadcast_to(m2 / s, l.shape)


def _ffn_body(te_ref, nv_ref, ca_ref, xs_ref, w1_ref, w3_ref, w2_ref, ys_ref):
    i = pl.program_id(0)

    @pl.when(i < nv_ref[0])
    def _():
        xb = xs_ref[...]
        w1 = w1_ref[0]
        w3 = w3_ref[0]
        h1 = lax.dot_general(xb, w1, (((1,), (1,)), ((), ())),
                             preferred_element_type=jnp.float32)
        h3 = lax.dot_general(xb, w3, (((1,), (1,)), ((), ())),
                             preferred_element_type=jnp.float32)
        act = (h1 * lax.logistic(h1) * h3).astype(MM_DTYPE)
        w2 = w2_ref[0]
        ys_ref[...] = lax.dot_general(act, w2, (((1,), (1,)), ((), ())),
                                      preferred_element_type=jnp.float32)


def kernel(index, hidden_states, experts_cache, gate_w, ws):
    x = hidden_states
    T = x.shape[0]
    del index
    gw = gate_w.reshape(E, H)

    blk = pl.BlockSpec((TBLK, E), lambda i: (i, 0))
    sel, i1o, i2o, w0o, w1o = pl.pallas_call(
        _router_body,
        grid=(T // TBLK,),
        in_specs=[pl.BlockSpec((TBLK, H), lambda i: (i, 0)),
                  pl.BlockSpec((E, H), lambda i: (0, 0))],
        out_specs=[blk, blk, blk, blk, blk],
        out_shape=[jax.ShapeDtypeStruct((T, E), jnp.float32),
                   jax.ShapeDtypeStruct((T, E), jnp.int32),
                   jax.ShapeDtypeStruct((T, E), jnp.int32),
                   jax.ShapeDtypeStruct((T, E), jnp.float32),
                   jax.ShapeDtypeStruct((T, E), jnp.float32)],
    )(x, gw)

    selb = sel > 0.5
    seli = selb.astype(jnp.int32)
    cnt = jnp.sum(seli, axis=0)
    pos = jnp.cumsum(seli, axis=0) - seli
    tiles = (cnt + BT - 1) // BT
    offt = (jnp.cumsum(tiles) - tiles).astype(jnp.int32)
    nvalid = jnp.sum(tiles).astype(jnp.int32)
    ar = jnp.arange(T)
    e0 = i1o[:, 0]
    e1 = i2o[:, 0]
    w0 = w0o[:, 0]
    w1_ = w1o[:, 0]
    r0 = offt[e0] * BT + pos[ar, e0]
    r1 = offt[e1] * BT + pos[ar, e1]
    src_rows = (jnp.zeros((ROWS,), jnp.int32)
                .at[jnp.concatenate([r0, r1])]
                .set(jnp.concatenate([ar, ar]).astype(jnp.int32)))
    ti = jnp.arange(NT, dtype=jnp.int32)
    tile_e = jnp.clip(jnp.searchsorted(offt, ti, side='right') - 1,
                      0, E - 1).astype(jnp.int32)

    xs = jnp.take(x.astype(MM_DTYPE), src_rows, axis=0)
    wa = ws.reshape(E, 3 * I, H)[:, :2 * I].astype(MM_DTYPE)
    wb = ws.reshape(E, 3 * H, I)[:, 2 * H:].astype(MM_DTYPE)
    cache = experts_cache.astype(jnp.int32)

    grid_spec = pltpu.PrefetchScalarGridSpec(
        num_scalar_prefetch=3,
        grid=(NT,),
        in_specs=[
            pl.BlockSpec((BT, H), lambda i, te, nv, ca: (i, 0)),
            pl.BlockSpec((1, I, H), lambda i, te, nv, ca: (ca[te[i]], 0, 0)),
            pl.BlockSpec((1, I, H), lambda i, te, nv, ca: (ca[te[i]], 1, 0)),
            pl.BlockSpec((1, H, I), lambda i, te, nv, ca: (ca[te[i]], 0, 0)),
        ],
        out_specs=pl.BlockSpec((BT, H), lambda i, te, nv, ca: (i, 0)),
    )
    ys = pl.pallas_call(
        _ffn_body,
        grid_spec=grid_spec,
        out_shape=jax.ShapeDtypeStruct((ROWS, H), jnp.float32),
        compiler_params=pltpu.CompilerParams(
            dimension_semantics=("arbitrary",)),
    )(tile_e, jnp.reshape(nvalid, (1,)), cache, xs, wa, wa, wb)

    out = w0[:, None] * ys[r0] + w1_[:, None] * ys[r1]
    return out

# --- scband reference (transcript-rebuilt; emitter-appended) ---
"""Pipeline reference for scband-mixtral-mo-e-47949014893023 (READ-ONLY COPY).

The authoritative reference and input builder live on the scoring server;
editing this copy changes nothing except your own understanding.
"""

import jax, jax.numpy as jnp
import numpy as np

NUM_LAYERS = 1
NUM_EXPERTS = 8
TOP_K = 2
HIDDEN = 1024
INTER = 2048
TOKENS = 2048


def setup_inputs(seed: int = 0) -> dict:
    key = jax.random.key(seed)
    k1, k2, k3 = jax.random.split(key, 3)
    hidden_states = jax.random.normal(k1, (TOKENS, HIDDEN), dtype=jnp.float32)
    # StackedLinear gate weights: [num_layers, num_experts, hidden]
    gate_w = jax.random.normal(k2, (NUM_LAYERS, NUM_EXPERTS, HIDDEN), dtype=jnp.float32) * 0.02
    # Packed expert weights: per (layer, expert): [w1 (I*H) | w3 (I*H) | w2 (H*I)]
    ws = jax.random.normal(k3, (NUM_LAYERS, NUM_EXPERTS, 3 * INTER * HIDDEN), dtype=jnp.float32) * 0.02
    # identity expert-id -> cache-slot mapping (models the gpu weight cache)
    experts_cache = jnp.arange(NUM_EXPERTS, dtype=jnp.int32)
    return {"index": 0, "hidden_states": hidden_states, "experts_cache": experts_cache, "gate_w": gate_w, "ws": ws}


def reference(index, hidden_states, experts_cache, gate_w, ws):
    x = hidden_states  # [T, H]
    T = x.shape[0]
    # router: StackedLinear at layer `index`
    router_logits = x @ gate_w[index].T  # [T, E]
    probs = jax.nn.softmax(router_logits, axis=-1)
    topk_w, topk_idx = jax.lax.top_k(probs, TOP_K)
    # renormalize=True
    topk_w = topk_w / jnp.sum(topk_w, axis=-1, keepdims=True)
    # scatter top-k weights into dense [T, E] routing matrix
    full_w = jnp.zeros((T, NUM_EXPERTS), dtype=x.dtype)
    full_w = full_w.at[jnp.arange(T)[:, None], topk_idx].add(topk_w)
    # fetch expert weights for this layer via the experts cache mapping
    w = jnp.take(ws[index], experts_cache, axis=0)  # [E, 3*I*H]
    w1 = w[:, : INTER * HIDDEN].reshape(NUM_EXPERTS, INTER, HIDDEN)
    w3 = w[:, INTER * HIDDEN : 2 * INTER * HIDDEN].reshape(NUM_EXPERTS, INTER, HIDDEN)
    w2 = w[:, 2 * INTER * HIDDEN :].reshape(NUM_EXPERTS, HIDDEN, INTER)
    # fused MoE: SwiGLU experts, weighted-combined by routing weights
    h1 = jnp.einsum('th,eih->tei', x, w1)
    h3 = jnp.einsum('th,eih->tei', x, w3)
    act = jax.nn.silu(h1) * h3
    out = jnp.einsum('tei,ehi->teh', act, w2)
    final_hidden_states = jnp.einsum('teh,te->th', out, full_w)
    return final_hidden_states

if __name__ == "__main__":
    import jax
    _d = setup_inputs()
    print(jax.jit(kernel)(*tuple(_d.values())))

</pallas_src>

<mosaic_0001>
module attributes {stable_mosaic.version = 14 : i64} {
  func.func @_router_body(%arg0: i32, %arg1: memref<256x1024xf32, #tpu.memory_space<vmem>>, %arg2: memref<8x1024xf32, #tpu.memory_space<vmem>>, %arg3: memref<256x8xf32, #tpu.memory_space<vmem>>, %arg4: memref<256x8xi32, #tpu.memory_space<vmem>>, %arg5: memref<256x8xi32, #tpu.memory_space<vmem>>, %arg6: memref<256x8xf32, #tpu.memory_space<vmem>>, %arg7: memref<256x8xf32, #tpu.memory_space<vmem>>) attributes {dimension_semantics = [#tpu.dimension_semantics<arbitrary>], iteration_bounds = array<i64: 8>, scalar_prefetch = 0 : i64, scratch_operands = 0 : i64, tpu.core_type = #tpu.core_type<tc>, window_params = [{transform_indices = @transform_0, window_bounds = array<i64: 256, 1024>}, {pipeline_mode = #tpu.pipeline_mode<synchronous>, transform_indices = @transform_1, window_bounds = array<i64: 8, 1024>}, {transform_indices = @transform_2, window_bounds = array<i64: 256, 8>}, {transform_indices = @transform_3, window_bounds = array<i64: 256, 8>}, {transform_indices = @transform_4, window_bounds = array<i64: 256, 8>}, {transform_indices = @transform_5, window_bounds = array<i64: 256, 8>}, {transform_indices = @transform_6, window_bounds = array<i64: 256, 8>}]} {
    %get3A = arith.constant 0 : index
    %get3A_0 = arith.constant 0 : index
    %get3A_1 = vector.load %arg1[%get3A, %get3A_0] : memref<256x1024xf32, #tpu.memory_space<vmem>>, vector<256x1024xf32>
    %get3A_2 = arith.constant 0 : index
    %get3A_3 = arith.constant 0 : index
    %get3A_4 = vector.load %arg2[%get3A_2, %get3A_3] : memref<8x1024xf32, #tpu.memory_space<vmem>>, vector<8x1024xf32>
    %dot_general3A = arith.constant dense<0.000000e+00> : vector<256x8xf32>
    %dot_general3A_5 = tpu.matmul %get3A_1, %get3A_4, %dot_general3A {dimension_numbers = #tpu.dot_dimension_numbers<[1], [1], [0], [0], [0, 0, 1, 0], [], []>, transpose_lhs_hint = false} : vector<256x1024xf32>, vector<8x1024xf32>, vector<256x8xf32> -> vector<256x8xf32>
    %reduce_max3A = arith.constant dense<0xFF800000> : vector<256xf32>
    %reduce_max3A_6 = vector.multi_reduction <maximumf>, %dot_general3A_5, %reduce_max3A [1] : vector<256x8xf32> to vector<256xf32>
    %broadcast_in_dim3A = vector.shape_cast %reduce_max3A_6 : vector<256xf32> to vector<256x1xf32>
    %sub3A = vector.broadcast %broadcast_in_dim3A : vector<256x1xf32> to vector<256x8xf32>
    %sub3A_7 = arith.subf %dot_general3A_5, %sub3A : vector<256x8xf32>
    %exp3A = math.exp %sub3A_7 : vector<256x8xf32>
    %iota3A = tpu.iota {dimensions = array<i32: 1>} : vector<256x8xi32>
    %reduce_max3A_8 = arith.constant dense<0xFF800000> : vector<256xf32>
    %reduce_max3A_9 = vector.multi_reduction <maximumf>, %exp3A, %reduce_max3A_8 [1] : vector<256x8xf32> to vector<256xf32>
    %broadcast_in_dim3A_10 = vector.shape_cast %reduce_max3A_9 : vector<256xf32> to vector<256x1xf32>
    %eq3A = vector.broadcast %broadcast_in_dim3A_10 : vector<256x1xf32> to vector<256x8xf32>
    %eq3A_11 = arith.cmpf oeq, %exp3A, %eq3A : vector<256x8xf32>
    %jit3A = arith.constant 8 : i32
    %broadcast_in_dim3A_12 = vector.broadcast %jit3A : i32 to vector<256x8xi32>
    %select_n3A = arith.select %eq3A_11, %iota3A, %broadcast_in_dim3A_12 : vector<256x8xi1>, vector<256x8xi32>
    %reduce_min3A = arith.constant dense<2147483647> : vector<256xi32>
    %reduce_min3A_13 = vector.multi_reduction <minsi>, %select_n3A, %reduce_min3A [1] : vector<256x8xi32> to vector<256xi32>
    %broadcast_in_dim3A_14 = vector.shape_cast %reduce_min3A_13 : vector<256xi32> to vector<256x1xi32>
    %eq3A_15 = vector.broadcast %broadcast_in_dim3A_14 : vector<256x1xi32> to vector<256x8xi32>
    %eq3A_16 = arith.cmpi eq, %iota3A, %eq3A_15 : vector<256x8xi32>
    %jit3A_17 = arith.constant -1.000000e+00 : f32
    %broadcast_in_dim3A_18 = vector.broadcast %jit3A_17 : f32 to vector<256x8xf32>
    %select_n3A_19 = arith.select %eq3A_16, %broadcast_in_dim3A_18, %exp3A : vector<256x8xi1>, vector<256x8xf32>
    %reduce_max3A_20 = arith.constant dense<0xFF800000> : vector<256xf32>
    %reduce_max3A_21 = vector.multi_reduction <maximumf>, %select_n3A_19, %reduce_max3A_20 [1] : vector<256x8xf32> to vector<256xf32>
    %broadcast_in_dim3A_22 = vector.shape_cast %reduce_max3A_21 : vector<256xf32> to vector<256x1xf32>
    %eq3A_23 = vector.broadcast %broadcast_in_dim3A_22 : vector<256x1xf32> to vector<256x8xf32>
    %eq3A_24 = arith.cmpf oeq, %select_n3A_19, %eq3A_23 : vector<256x8xf32>
    %jit3A_25 = arith.constant 8 : i32
    %broadcast_in_dim3A_26 = vector.broadcast %jit3A_25 : i32 to vector<256x8xi32>
    %select_n3A_27 = arith.select %eq3A_24, %iota3A, %broadcast_in_dim3A_26 : vector<256x8xi1>, vector<256x8xi32>
    %reduce_min3A_28 = arith.constant dense<2147483647> : vector<256xi32>
    %reduce_min3A_29 = vector.multi_reduction <minsi>, %select_n3A_27, %reduce_min3A_28 [1] : vector<256x8xi32> to vector<256xi32>
    %broadcast_in_dim3A_30 = vector.shape_cast %reduce_min3A_29 : vector<256xi32> to vector<256x1xi32>
    %add3A = arith.addf %broadcast_in_dim3A_10, %broadcast_in_dim3A_22 : vector<256x1xf32>
    %eq3A_31 = vector.broadcast %broadcast_in_dim3A_14 : vector<256x1xi32> to vector<256x8xi32>
    %eq3A_32 = arith.cmpi eq, %iota3A, %eq3A_31 : vector<256x8xi32>
    %eq3A_33 = vector.broadcast %broadcast_in_dim3A_30 : vector<256x1xi32> to vector<256x8xi32>
    %eq3A_34 = arith.cmpi eq, %iota3A, %eq3A_33 : vector<256x8xi32>
    %or3A = arith.ori %eq3A_32, %eq3A_34 : vector<256x8xi1>
    %jit3A_35 = arith.constant 1.000000e+00 : f32
    %jit3A_36 = arith.constant 0.000000e+00 : f32
    %broadcast_in_dim3A_37 = vector.broadcast %jit3A_35 : f32 to vector<256x8xf32>
    %broadcast_in_dim3A_38 = vector.broadcast %jit3A_36 : f32 to vector<256x8xf32>
    %select_n3A_39 = arith.select %or3A, %broadcast_in_dim3A_37, %broadcast_in_dim3A_38 : vector<256x8xi1>, vector<256x8xf32>
    %swap3A = arith.constant 0 : index
    %swap3A_40 = arith.constant 0 : index
    %swap3A_41 = vector.load %arg3[%swap3A, %swap3A_40] : memref<256x8xf32, #tpu.memory_space<vmem>>, vector<256x8xf32>
    tpu.vector_store %arg3[%swap3A, %swap3A_40], %select_n3A_39 {strides = array<i32>} : memref<256x8xf32, #tpu.memory_space<vmem>>, vector<256x8xf32>,
    %broadcast_in_dim3A_42 = vector.shape_cast %broadcast_in_dim3A_14 : vector<256x1xi32> to vector<256x1xi32>
    %broadcast_in_dim3A_43 = vector.broadcast %broadcast_in_dim3A_42 : vector<256x1xi32> to vector<256x8xi32>
    %swap3A_44 = arith.constant 0 : index
    %swap3A_45 = arith.constant 0 : index
    %swap3A_46 = vector.load %arg4[%swap3A_44, %swap3A_45] : memref<256x8xi32, #tpu.memory_space<vmem>>, vector<256x8xi32>
    tpu.vector_store %arg4[%swap3A_44, %swap3A_45], %broadcast_in_dim3A_43 {strides = array<i32>} : memref<256x8xi32, #tpu.memory_space<vmem>>, vector<256x8xi32>,
    %broadcast_in_dim3A_47 = vector.shape_cast %broadcast_in_dim3A_30 : vector<256x1xi32> to vector<256x1xi32>
    %broadcast_in_dim3A_48 = vector.broadcast %broadcast_in_dim3A_47 : vector<256x1xi32> to vector<256x8xi32>
    %swap3A_49 = arith.constant 0 : index
    %swap3A_50 = arith.constant 0 : index
    %swap3A_51 = vector.load %arg5[%swap3A_49, %swap3A_50] : memref<256x8xi32, #tpu.memory_space<vmem>>, vector<256x8xi32>
    tpu.vector_store %arg5[%swap3A_49, %swap3A_50], %broadcast_in_dim3A_48 {strides = array<i32>} : memref<256x8xi32, #tpu.memory_space<vmem>>, vector<256x8xi32>,
    %div3A = arith.divf %broadcast_in_dim3A_10, %add3A : vector<256x1xf32>
    %broadcast_in_dim3A_52 = vector.shape_cast %div3A : vector<256x1xf32> to vector<256x1xf32>
    %broadcast_in_dim3A_53 = vector.broadcast %broadcast_in_dim3A_52 : vector<256x1xf32> to vector<256x8xf32>
    %swap3A_54 = arith.constant 0 : index
    %swap3A_55 = arith.constant 0 : index
    %swap3A_56 = vector.load %arg6[%swap3A_54, %swap3A_55] : memref<256x8xf32, #tpu.memory_space<vmem>>, vector<256x8xf32>
    tpu.vector_store %arg6[%swap3A_54, %swap3A_55], %broadcast_in_dim3A_53 {strides = array<i32>} : memref<256x8xf32, #tpu.memory_space<vmem>>, vector<256x8xf32>,
    %div3A_57 = arith.divf %broadcast_in_dim3A_22, %add3A : vector<256x1xf32>
    %broadcast_in_dim3A_58 = vector.shape_cast %div3A_57 : vector<256x1xf32> to vector<256x1xf32>
    %broadcast_in_dim3A_59 = vector.broadcast %broadcast_in_dim3A_58 : vector<256x1xf32> to vector<256x8xf32>
    %swap3A_60 = arith.constant 0 : index
    %swap3A_61 = arith.constant 0 : index
    %swap3A_62 = vector.load %arg7[%swap3A_60, %swap3A_61] : memref<256x8xf32, #tpu.memory_space<vmem>>, vector<256x8xf32>
    tpu.vector_store %arg7[%swap3A_60, %swap3A_61], %broadcast_in_dim3A_59 {strides = array<i32>} : memref<256x8xf32, #tpu.memory_space<vmem>>, vector<256x8xf32>,
    return
  }
  func.func @transform_0(%arg0: i32) -> (i32, i32) {
    %c0_i32 = arith.constant 0 : i32
    %c0_i32_0 = arith.constant 0 : i32
    return %arg0, %c0_i32 : i32, i32
  }
  func.func @transform_1(%arg0: i32) -> (i32, i32) {
    %c0_i32 = arith.constant 0 : i32
    %c0_i32_0 = arith.constant 0 : i32
    %c0_i32_1 = arith.constant 0 : i32
    return %c0_i32, %c0_i32_0 : i32, i32
  }
  func.func @transform_2(%arg0: i32) -> (i32, i32) {
    %c0_i32 = arith.constant 0 : i32
    %c0_i32_0 = arith.constant 0 : i32
    return %arg0, %c0_i32 : i32, i32
  }
  func.func @transform_3(%arg0: i32) -> (i32, i32) {
    %c0_i32 = arith.constant 0 : i32
    %c0_i32_0 = arith.constant 0 : i32
    return %arg0, %c0_i32 : i32, i32
  }
  func.func @transform_4(%arg0: i32) -> (i32, i32) {
    %c0_i32 = arith.constant 0 : i32
    %c0_i32_0 = arith.constant 0 : i32
    return %arg0, %c0_i32 : i32, i32
  }
  func.func @transform_5(%arg0: i32) -> (i32, i32) {
    %c0_i32 = arith.constant 0 : i32
    %c0_i32_0 = arith.constant 0 : i32
    return %arg0, %c0_i32 : i32, i32
  }
  func.func @transform_6(%arg0: i32) -> (i32, i32) {
    %c0_i32 = arith.constant 0 : i32
    %c0_i32_0 = arith.constant 0 : i32
    return %arg0, %c0_i32 : i32, i32
  }
}

module attributes {stable_mosaic.version = 14 : i64} {
  func.func @_ffn_body(%arg0: i32, %arg1: memref<24xi32, #tpu.memory_space<smem>>, %arg2: memref<1xi32, #tpu.memory_space<smem>>, %arg3: memref<8xi32, #tpu.memory_space<smem>>, %arg4: memref<256x1024xbf16, #tpu.memory_space<vmem>>, %arg5: memref<1x2048x1024xbf16, #tpu.memory_space<vmem>>, %arg6: memref<1x2048x1024xbf16, #tpu.memory_space<vmem>>, %arg7: memref<1x1024x2048xbf16, #tpu.memory_space<vmem>>, %arg8: memref<256x1024xf32, #tpu.memory_space<vmem>>) attributes {dimension_semantics = [#tpu.dimension_semantics<arbitrary>], iteration_bounds = array<i64: 24>, scalar_prefetch = 3 : i64, scratch_operands = 0 : i64, tpu.core_type = #tpu.core_type<tc>, window_params = [{transform_indices = @transform_0, window_bounds = array<i64: 256, 1024>}, {transform_indices = @transform_1, window_bounds = array<i64: 1, 2048, 1024>}, {transform_indices = @transform_2, window_bounds = array<i64: 1, 2048, 1024>}, {transform_indices = @transform_3, window_bounds = array<i64: 1, 1024, 2048>}, {transform_indices = @transform_4, window_bounds = array<i64: 256, 1024>}]} {
    %get3A = arith.constant 0 : index
    %get3A_0 = memref.load %arg2[%get3A] : memref<1xi32, #tpu.memory_space<smem>>
    %lt3A = arith.cmpi slt, %arg0, %get3A_0 : i32
    %convert_element_type3A = arith.extui %lt3A : i1 to i32
    %cond3A = arith.constant 0 : i32
    %cond3A_1 = arith.cmpi ne, %convert_element_type3A, %cond3A : i32
    scf.if %cond3A_1 {
      %get3A_2 = arith.constant 0 : index
      %get3A_3 = arith.constant 0 : index
      %get3A_4 = vector.load %arg4[%get3A_2, %get3A_3] : memref<256x1024xbf16, #tpu.memory_space<vmem>>, vector<256x1024xbf16>
      %get3A_5 = arith.constant 0 : index
      %get3A_6 = arith.constant 0 : index
      %get3A_7 = arith.constant 0 : index
      %get3A_8 = vector.load %arg5[%get3A_5, %get3A_6, %get3A_7] : memref<1x2048x1024xbf16, #tpu.memory_space<vmem>>, vector<1x2048x1024xbf16>
      %get3A_9 = vector.shape_cast %get3A_8 : vector<1x2048x1024xbf16> to vector<2048x1024xbf16>
      %get3A_10 = arith.constant 0 : index
      %get3A_11 = arith.constant 0 : index
      %get3A_12 = arith.constant 0 : index
      %get3A_13 = vector.load %arg6[%get3A_10, %get3A_11, %get3A_12] : memref<1x2048x1024xbf16, #tpu.memory_space<vmem>>, vector<1x2048x1024xbf16>
      %get3A_14 = vector.shape_cast %get3A_13 : vector<1x2048x1024xbf16> to vector<2048x1024xbf16>
      %dot_general3A = arith.constant dense<0.000000e+00> : vector<256x2048xf32>
      %dot_general3A_15 = tpu.matmul %get3A_4, %get3A_9, %dot_general3A {dimension_numbers = #tpu.dot_dimension_numbers<[1], [1], [0], [0], [0, 0, 1, 0], [], []>, transpose_lhs_hint = false} : vector<256x1024xbf16>, vector<2048x1024xbf16>, vector<256x2048xf32> -> vector<256x2048xf32>
      %dot_general3A_16 = arith.constant dense<0.000000e+00> : vector<256x2048xf32>
      %dot_general3A_17 = tpu.matmul %get3A_4, %get3A_14, %dot_general3A_16 {dimension_numbers = #tpu.dot_dimension_numbers<[1], [1], [0], [0], [0, 0, 1, 0], [], []>, transpose_lhs_hint = false} : vector<256x1024xbf16>, vector<2048x1024xbf16>, vector<256x2048xf32> -> vector<256x2048xf32>
      %logistic3A = arith.negf %dot_general3A_15 : vector<256x2048xf32>
      %logistic3A_18 = math.exp %logistic3A : vector<256x2048xf32>
      %logistic3A_19 = arith.constant 1.000000e+00 : f32
      %logistic3A_20 = vector.broadcast %logistic3A_19 : f32 to vector<256x2048xf32>
      %logistic3A_21 = arith.addf %logistic3A_20, %logistic3A_18 : vector<256x2048xf32>
      %logistic3A_22 = arith.divf %logistic3A_20, %logistic3A_21 : vector<256x2048xf32>
      %mul3A = arith.mulf %dot_general3A_15, %logistic3A_22 : vector<256x2048xf32>
      %mul3A_23 = arith.mulf %mul3A, %dot_general3A_17 : vector<256x2048xf32>
      %convert_element_type3A_24 = arith.truncf %mul3A_23 : vector<256x2048xf32> to vector<256x2048xbf16>
      %get3A_25 = arith.constant 0 : index
      %get3A_26 = arith.constant 0 : index
      %get3A_27 = arith.constant 0 : index
      %get3A_28 = vector.load %arg7[%get3A_25, %get3A_26, %get3A_27] : memref<1x1024x2048xbf16, #tpu.memory_space<vmem>>, vector<1x1024x2048xbf16>
      %get3A_29 = vector.shape_cast %get3A_28 : vector<1x1024x2048xbf16> to vector<1024x2048xbf16>
      %dot_general3A_30 = arith.constant dense<0.000000e+00> : vector<256x1024xf32>
      %dot_general3A_31 = tpu.matmul %convert_element_type3A_24, %get3A_29, %dot_general3A_30 {dimension_numbers = #tpu.dot_dimension_numbers<[1], [1], [0], [0], [0, 0, 1, 0], [], []>, transpose_lhs_hint = false} : vector<256x2048xbf16>, vector<1024x2048xbf16>, vector<256x1024xf32> -> vector<256x1024xf32>
      %swap3A = arith.constant 0 : index
      %swap3A_32 = arith.constant 0 : index
      %swap3A_33 = vector.load %arg8[%swap3A, %swap3A_32] : memref<256x1024xf32, #tpu.memory_space<vmem>>, vector<256x1024xf32>
      tpu.vector_store %arg8[%swap3A, %swap3A_32], %dot_general3A_31 {strides = array<i32>} : memref<256x1024xf32, #tpu.memory_space<vmem>>, vector<256x1024xf32>,
    } else {
    }
    return
  }
  func.func @transform_0(%arg0: i32, %arg1: memref<24xi32, #tpu.memory_space<smem>>, %arg2: memref<1xi32, #tpu.memory_space<smem>>, %arg3: memref<8xi32, #tpu.memory_space<smem>>) -> (i32, i32) {
    %c0_i32 = arith.constant 0 : i32
    %c0_i32_0 = arith.constant 0 : i32
    return %arg0, %c0_i32 : i32, i32
  }
  func.func @transform_1(%arg0: i32, %arg1: memref<24xi32, #tpu.memory_space<smem>>, %arg2: memref<1xi32, #tpu.memory_space<smem>>, %arg3: memref<8xi32, #tpu.memory_space<smem>>) -> (i32, i32, i32) {
    %get3A = arith.index_cast %arg0 : i32 to index
    %get3A_0 = memref.load %arg1[%get3A] : memref<24xi32, #tpu.memory_space<smem>>
    %get3A_1 = arith.index_cast %get3A_0 : i32 to index
    %get3A_2 = memref.load %arg3[%get3A_1] : memref<8xi32, #tpu.memory_space<smem>>
    %c0_i32 = arith.constant 0 : i32
    %c0_i32_3 = arith.constant 0 : i32
    %c0_i32_4 = arith.constant 0 : i32
    return %get3A_2, %c0_i32, %c0_i32_3 : i32, i32, i32
  }
  func.func @transform_2(%arg0: i32, %arg1: memref<24xi32, #tpu.memory_space<smem>>, %arg2: memref<1xi32, #tpu.memory_space<smem>>, %arg3: memref<8xi32, #tpu.memory_space<smem>>) -> (i32, i32, i32) {
    %get3A = arith.index_cast %arg0 : i32 to index
    %get3A_0 = memref.load %arg1[%get3A] : memref<24xi32, #tpu.memory_space<smem>>
    %get3A_1 = arith.index_cast %get3A_0 : i32 to index
    %get3A_2 = memref.load %arg3[%get3A_1] : memref<8xi32, #tpu.memory_space<smem>>
    %c1_i32 = arith.constant 1 : i32
    %c0_i32 = arith.constant 0 : i32
    %c0_i32_3 = arith.constant 0 : i32
    return %get3A_2, %c1_i32, %c0_i32 : i32, i32, i32
  }
  func.func @transform_3(%arg0: i32, %arg1: memref<24xi32, #tpu.memory_space<smem>>, %arg2: memref<1xi32, #tpu.memory_space<smem>>, %arg3: memref<8xi32, #tpu.memory_space<smem>>) -> (i32, i32, i32) {
    %get3A = arith.index_cast %arg0 : i32 to index
    %get3A_0 = memref.load %arg1[%get3A] : memref<24xi32, #tpu.memory_space<smem>>
    %get3A_1 = arith.index_cast %get3A_0 : i32 to index
    %get3A_2 = memref.load %arg3[%get3A_1] : memref<8xi32, #tpu.memory_space<smem>>
    %c0_i32 = arith.constant 0 : i32
    %c0_i32_3 = arith.constant 0 : i32
    %c0_i32_4 = arith.constant 0 : i32
    return %get3A_2, %c0_i32, %c0_i32_3 : i32, i32, i32
  }
  func.func @transform_4(%arg0: i32, %arg1: memref<24xi32, #tpu.memory_space<smem>>, %arg2: memref<1xi32, #tpu.memory_space<smem>>, %arg3: memref<8xi32, #tpu.memory_space<smem>>) -> (i32, i32) {
    %c0_i32 = arith.constant 0 : i32
    %c0_i32_0 = arith.constant 0 : i32
    return %arg0, %c0_i32 : i32, i32
  }
}

</mosaic_0001>

<sc_bundles>
// kernel: gather_offload_async_start.1
scs
__scs_entry_jumppad:
0x0: {  	(pc) =	sbr.rel $0x88, $3  }
0x1: {  	(tag) =	ssettag $0x0;
	lr =	simm.s32 $0x1  }
0x2: {  	[smem:$0x3F9D] =	sst lr;
	_ =	strace $0xD0000000  }
0x3: {  	_ = 	snop  }
0x4: {  	_ = 	snop  }
0x5: {  	_ = 	snop  }
0x6: {  	_ = 	snop  }
0x7: {  	_ = 	snop  }
__scs_overlays_trampoline_lowered:
0x8: {  	[smem:$0x3FAC] =	sst s0  }
0x9: {  	[smem:$0x3FAD] =	sst s1  }
0xa: {  	[smem:$0x3FAE] =	sst s2  }
0xb: {  	[smem:$0x3FAF] =	sst s3  }
0xc: {  	[smem:$0x3FB0] =	sst s4  }
0xd: {  	[smem:$0x3FB1] =	sst s5  }
0xe: {  	[smem:$0x3FB2] =	sst s6  }
0xf: {  	[smem:$0x3FB3] =	sst s7  }
0x10: {  	[smem:$0x3FB4] =	sst s8  }
0x11: {  	[smem:$0x3FB5] =	sst s9;
	s0 =	simm.s32 @!p0 $0x0  }
0x12: {  	s1 =	sld [smem:$0x3F9B];
	s0 =	simm.s32 @p0 $0x1  }
0x13: {  	[smem:$0x3FB6] =	sst s0;
	s0 =	simm.s32 @!p1 $0x0  }
0x14: {  	s2 =	sld [smem:$0x3F9A];
	s0 =	simm.s32 @p1 $0x1  }
0x15: {  	[smem:$0x3FB7] =	sst s0;
	s0 =	simm.s32 @!p2 $0x0  }
0x16: {  	s3 =	sld [smem:$0x3FDB];
	s0 =	simm.s32 @p2 $0x1  }
0x17: {  	s4 =	simm.s32 $0x1BF5;
	[smem:$0x3FB9] =	sst s0  }
0x18: {  	s0 =	sld [smem:$0x3F9C];
	_ =	swait.ge [sflag:s4], $0x0  }
0x19: {  	s7 =	sld [smem:$0x3F9D]  }
0x1a: {  	s8 =	sadd.s32 $0xFFFFE003, lr  }
0x1b: {  	s9 =	sadd.s32 $0xFFFFFEF7, lr;
	s5 =	simm.s32 $0xFFFFFFFF;
	p2 =	slt.u32 s8, $0xFFFFF086  }
0x1c: {  	p1 =	slt.u32 s9, $0xF7A;
	s5 =	simm.s32 @!p2 $0x0  }
0x1d: {  	s5 =	simm.s32 @p1 $0x1;
	p0 =	seq.s32 s7, s2  }
0x1e: {  	s7 =	smul.u32 @!p0 $0xF7A, s2;
	p2 =	seq.s32 @!p0 s5, $0x0  }
0x1f: {  	s9 =	smul.u32 $0xF7A, s1;
	s8 =	simm.s32 @!p0 $0x1BF5;
	p2 =	por !p2, p0  }
0x20: {  	[sflag:s8] =	ssyncset.s32 @!p0 $0xFFFFF086;
	s6 =	sadd.s32 @!p0 s3, s7;
	s7 =	simm.s32 @!p0 $0x108  }
0x21: {  	s3 =	sadd.s32 s3, s9;
	s6 =	sadd.s32 @!p0 $0x88, s6;
	s7 =	simm.s32 @p2 $0x1082  }
0x22: {  	[simem:s7], [sflag:s8] =	dma.local @!p0 [hbm:s6], $0xF7A  }
0x23: {  	s9 =	sor.u32 $0xD0000000, s2;
	s6 =	simm.s32 $0x108;
	_ =	swait.ge @!p0 [sflag:s8], $0x0  }
0x24: {  	s3 =	sadd.s32 $0x88, s3;
	s6 =	simm.s32 @!p1 $0x1082;
	[sflag:s4] =	ssyncset.s32 $0xFFFFF086  }
0x25: {  	[simem:s6], [sflag:s4] =	dma.local [hbm:s3], $0xF7A  }
0x26: {  	[smem:$0x3F9D] =	sst s1;
	(tag) =	ssettag s2;
	_ =	strace s9  }
0x27: {  	s1 =	sld [smem:$0x3FAD]  }
0x28: {  	s2 =	sld [smem:$0x3FAE]  }
0x29: {  	s4 =	sld [smem:$0x3FB0]  }
0x2a: {  	p0 =	seq.s32 s5, $0x0;
	s5 =	sld [smem:$0x3FB1]  }
0x2b: {  	s6 =	sld [smem:$0x3FB2]  }
0x2c: {  	s7 =	sld [smem:$0x3FB3]  }
0x2d: {  	s3 =	simm.s32 $0x108;
	s8 =	sld [smem:$0x3FB4]  }
0x2e: {  	s3 =	simm.s32 @!p0 $0x1082;
	s9 =	sld [smem:$0x3FB5]  }
0x2f: {  	lr =	sadd.s32 s0, s3;
	s0 =	sld [smem:$0x3FAC]  }
0x30: {  	s3 =	sld [smem:$0x3FAF]  }
0x31: {  	[smem:$0x3FB8] =	sst s10  }
0x32: {  	s10 =	sld [smem:$0x3FB6];
	_ =	sdelay $0x3  }
0x33: {  	p0 =	seq.s32 s10, $0x1;
	s10 =	sld [smem:$0x3FB8];
	_ =	sdelay $0x3  }
0x34: {  	[smem:$0x3FB8] =	sst s10  }
0x35: {  	s10 =	sld [smem:$0x3FB7];
	_ =	sdelay $0x3  }
0x36: {  	p1 =	seq.s32 s10, $0x1;
	s10 =	sld [smem:$0x3FB8];
	_ =	sdelay $0x3  }
0x37: {  	[smem:$0x3FB8] =	sst s10  }
0x38: {  	s10 =	sld [smem:$0x3FB9]  }
0x39: {  	_ = 	snop;
	(pc) =	sbr.ind lr, $3  }
0x3a: {  	_ = 	snop  }
0x3b: {  	_ = 	snop  }
0x3c: {  	p2 =	seq.s32 s10, $0x1;
	s10 =	sld [smem:$0x3FB8]  }
0x3d: {  	_ =	shalt  }
0x3e: {  	_ =	shalt  }
0x3f: {  	_ =	shalt  }
0x40: {  	_ =	shalt  }
0x41: {  	_ =	shalt  }
0x42: {  	_ =	shalt  }
0x43: {  	_ =	shalt  }
0x44: {  	_ =	shalt  }
0x45: {  	_ =	shalt  }
0x46: {  	_ =	shalt  }
0x47: {  	_ =	shalt  }
0x48: {  	_ =	shalt  }
0x49: {  	_ =	shalt  }
0x4a: {  	_ =	shalt  }
0x4b: {  	_ =	shalt  }
0x4c: {  	_ =	shalt  }
0x4d: {  	_ =	shalt  }
0x4e: {  	_ =	shalt  }
0x4f: {  	_ =	shalt  }
0x50: {  	_ =	shalt  }
0x51: {  	_ =	shalt  }
0x52: {  	_ =	shalt  }
0x53: {  	_ =	shalt  }
0x54: {  	_ =	shalt  }
0x55: {  	_ =	shalt  }
0x56: {  	_ =	shalt  }
0x57: {  	_ =	shalt  }
0x58: {  	_ =	shalt  }
0x59: {  	_ =	shalt  }
0x5a: {  	_ =	shalt  }
0x5b: {  	_ =	shalt  }
0x5c: {  	_ =	shalt  }
0x5d: {  	_ =	shalt  }
0x5e: {  	_ =	shalt  }
0x5f: {  	_ =	shalt  }
0x60: {  	_ =	shalt  }
0x61: {  	_ =	shalt  }
0x62: {  	_ =	shalt  }
0x63: {  	_ =	shalt  }
0x64: {  	_ =	shalt  }
0x65: {  	_ =	shalt  }
0x66: {  	_ =	shalt  }
0x67: {  	_ =	shalt  }
0x68: {  	_ =	shalt  }
0x69: {  	_ =	shalt  }
0x6a: {  	_ =	shalt  }
0x6b: {  	_ =	shalt  }
0x6c: {  	_ =	shalt  }
0x6d: {  	_ =	shalt  }
0x6e: {  	_ =	shalt  }
0x6f: {  	_ =	shalt  }
0x70: {  	_ =	shalt  }
0x71: {  	_ =	shalt  }
0x72: {  	_ =	shalt  }
0x73: {  	_ =	shalt  }
0x74: {  	_ =	shalt  }
0x75: {  	_ =	shalt  }
0x76: {  	_ =	shalt  }
0x77: {  	_ =	shalt  }
0x78: {  	_ =	shalt  }
0x79: {  	_ =	shalt  }
0x7a: {  	_ =	shalt  }
0x7b: {  	_ =	shalt  }
0x7c: {  	_ =	shalt  }
0x7d: {  	_ =	shalt  }
0x7e: {  	_ =	shalt  }
0x7f: {  	_ =	shalt  }
0x80: {  	_ =	shalt  }
0x81: {  	_ =	shalt  }
0x82: {  	_ =	shalt  }
0x83: {  	_ =	shalt  }
0x84: {  	_ =	shalt  }
0x85: {  	_ =	shalt  }
0x86: {  	_ =	shalt  }
0x87: {  	_ =	shalt  }
.Lfunc_end0:
.L_simem_size_0:
called_computation.3_lowered:
.L_overlay_start_0:
0x88: {  	s2 =	sld [smem:$0x3FD9]  }
0x89: {  	s3 =	sld [smem:$0x3FFE];
	_ =	sdelay $0x1  }
0x8a: {  	s1 =	srdreg.scid  }
0x8b: {  	s0 =	sand.u32 $0x1, s1  }
0x8c: {  	s17 =	sshll.u32 s0, $0xA;
	s2 =	sadd.s32 s3, s2  }
0x8d: {  	s2 =	sadd.s32 s2, s17  }
0x8e: {  	[smem:$0x3FC4] =	sst s2  }
0x8f: {  	_ = 	snop  }
0x90: {  	s2 =	sld [smem:$0x3FD0];
	(tm) =	ssettm $0x1  }
0x91: {  	s18 =	sld [smem:$0x3FFB];
	_ =	sdelay $0x3  }
0x92: {  	_ =	strace s18  }
0x93: {  	s3 =	sld [smem:$0x3FFC];
	_ =	sdelay $0x3  }
0x94: {  	_ =	strace s3  }
0x95: {  	s3 =	sld [smem:$0x3FFD];
	_ =	sdelay $0x3  }
0x96: {  	_ =	strace s3  }
0x97: {  	_ =	strace $0x8FFFFFFF  }
0x98: {  	s19 =	sld [smem:$0x3FDB];
	_ =	sdelay $0x1  }
0x99: {  	s4 =	simm.s32 $_scs_section_size  }
0x9a: {  	s5 =	simm.s32 $_size__tile_overlayer_lowered;
	s6 =	simm.s32 $_tile_overlayer_lowered  }
0x9b: {  	s22 =	simm.s32 $0x1BFF;
	s21 =	sshll.u32 s6, $0x1;
	s3 =	sadd.s32 s4, s19  }
0x9c: {  	s7 =	simm.s32 $0x0;
	s20 =	sshll.u32 s5, $0x1;
	s5 =	sadd.s32 s21, s3  }
0x9d: {  	[timem:s7], [sflag:s22] =	dma.local [hbm:s5], s20  }
0x9e: {  	_ =	swait.ge [sflag:s22], s20  }
0x9f: {  	s4 =	ssub.s32 $0x0, s20;
	[sflag:s22] =	ssyncset.done $0x0  }
0xa0: {  	[sflag:s22] =	ssyncadd.s32 s4;
	_ =	sdelay $0x1  }
0xa1: {  	s23 =	simm.s32 $0x1B8B  }
0xa2: {  	_ =	swait.ge [sflag:s23], $0x1  }
0xa3: {  	[sflag:s23] =	ssyncset.done $0x0  }
0xa4: {  	s25 =	simm.s32 $0x1B8E;
	s24 =	sld [smem:$0x3FFE];
	[sflag:s23] =	ssyncadd.s32 $0xFFFFFFFF  }
0xa5: {  	s26 =	simm.s32 $execute0_lowered;
	[smem:$0x3FD2] =	sst s25  }
0xa6: {  	s5 =	sshll.u32 s26, $0x1;
	_ =	strace $0x80000046;
	[dreg:$0x1] =	wrdreg $0xFFFFFFFF  }
0xa7: {  	s28 =	simm.s32 $_size_execute0_lowered;
	s3 =	sadd.s32 s3, s5;
	[dreg:$0x0] =	wrdreg $0x0  }
0xa8: {  	s5 =	sshll.u32 s28, $0x1;
	[dreg:$0x2] =	wrdreg s3  }
0xa9: {  	[dreg:$0x3] =	wrdreg s5  }
0xaa: {  	[dreg:$0x4] =	wrdreg $0xC0  }
0xab: {  	_ =	task [dreg:s7], $0x5FFFF  }
0xac: {  	[dreg:$0x1] =	wrdreg $0xFFFFFFFF  }
0xad: {  	[dreg:$0x0] =	wrdreg $0x60  }
0xae: {  	[dreg:$0x2] =	wrdreg s2  }
0xaf: {  	[dreg:$0x3] =	wrdreg s24  }
0xb0: {  	[dreg:$0x4] =	wrdreg $0xC  }
0xb1: {  	_ =	task.clear_ibuf [dreg:s7], $0x5FFFF;
	_ =	strace $0x90000046  }
0xb2: {  	s29 =	simm.s32 $0xC;
	_ =	strace $0x80000048  }
0xb3: {  	_ =	swait.ge [sflag:s29], $0x1  }
0xb4: {  	[sflag:s29] =	ssyncadd.s32 $0xFFFFFFFF  }
0xb5: {  	_ =	strace $0x90000048  }
0xb6: {  	_ =	sfence  }
0xb7: {  	s30 =	sld [smem:$0x0];
	_ =	sdelay $0x2  }
0xb8: {  	s31 =	sshll.u32 s1, $0xD;
	s1 =	sshrl.u32 s1, $0x2  }
0xb9: {  	s3 =	sand.u32 $0x4000, s31;
	s1 =	sadd.s32 s1, s30  }
0xba: {  	s0 =	sor.u32 s3, s0;
	s1 =	sshll.u32 s1, $0x11  }
0xbb: {  	s0 =	sor.u32 s1, s0  }
0xbc: {  	s0 =	sadd.s32 $0x8F2B, s0  }
0xbd: {  	[sflag:s0] =	ssyncadd.remote.s32 $0x1  }
0xbe: {  	_ =	sfence.sel $0xFFFF  }
0xbf: {  	[dreg:$0x0] =	wrdreg $0xFFFFFFFF;
	(pc) =	sbr.abs _section_cstart, $3  }
0xc0: {  	[dreg:$0x1] =	wrdreg $0xFFFFFFFF  }
0xc1: {  	_ =	task.clear_ibuf [dreg:s7], $0x2FFFF;
	_ =	strace $0x9FFFFFFF  }
0xc2: {  	(tm) =	ssettm $0x7FFFFFFF  }
0xc3: {  	_ =	shalt  }
tec
execute0_lowered:
.L_overlay_start_1:
0x0: {  	(tag) =	ssettag $0x1  }
0x1: {  	s1 =	srdreg.scid;
	s2 =	rddreg [dreg:$0x0]  }
0x2: {  	s0 =	stileid.u32;
	s8 =	rddreg [dreg:$0x1]  }
0x3: {  	s5 =	simm.s32 $0x1;
	s9 =	simm.s32 $0x1;
	s1 =	sshll.u32 s1, $0x5  }
0x4: {  	s10 =	simm.s32 $0x3;
	s3 =	sshll.u32 s0, $0x6;
	s4 =	sand.u32 $0x20, s1  }
0x5: {  	s13 =	simm.s32 $0x0;
	s12 =	simm.s32 $0x0;
	s3 =	sor.u32 s3, s4  }
0x6: {  	s1 =	rddreg [dreg:$0x2];
	_ =	strace $0x80000047;
	s7 =	ssub.s32 $0x800, s3  }
.Ltmp0:
0x7: {  	s4 =	sadd.s32 $0x321400, s8;
	s6 =	sand.u32 $0x3E0, s7;
	(pc) =	sbr.rel .LBB2_1-.Ltmp0, $4  }
0x8: {  	[sflag:s5] =	ssyncpa.u1 $0x0;
	s8 =	sadd.s32 $0x20400, s8;
	p0 =	sne.s32 s6, $0x0  }
0x9: {  	s7 =	sshrl.u32 s7, $0xA;
	s6 =	simm.s32 $0x2;
	s9 =	simm.s32 @!p0 $0x0  }
0xa: {  	s11 =	smov.u32 s3;
	[sflag:s6] =	ssyncpa.u1 $0x0;
	s7 =	sadd.s32 s9, s7  }
0xb: {  	vm0 =	vmmov $0xffff;
	[sflag:s10] =	ssyncpa.u1 $0x0;
	s10 =	simm.s32 $0x0;
	s9 =	sadd.s32 $0x1, s7  }
.LBB2_5:
0xc: {  	s15 =	sadd.s32 $0x400, s11  }
0xd: {  	p1 =	sgt.s32 s15, $0x7FF  }
0xe: {  	s15 =	smov.u32 @p1 s3;
	p1 =	sne.s32 s12, s9  }
.Ltmp1:
0xf: {  	p0 =	slt.u32 s12, $0x2;
	(pc) =	sbr.rel @!p1 .LBB2_6-.Ltmp1, $4  }
0x10: {  	s14 =	simm.s32 @!p0 $0x3  }
0x11: {  	_ =	swait.ge @!p0 [sflag:s14], $0x20  }
0x12: {  	s16 =	sadd.s32 $0x1, s12;
	s13 =	smov.u32 s11;
	[sflag:s14] =	ssyncset.done @!p0 $0x0  }
0x13: {  	s12 =	smov.u32 s16;
	s11 =	smov.u32 s15;
	[sflag:s14] =	ssyncadd.s32 @!p0 $0xFFFFFFE0  }
.LBB2_1:
0x14: {  	p0 =	sge.u32 s12, s7  }
0x15: {  	s14 =	sxor.u32 @!p0 $0xFFFFFFFF, s12  }
0x16: {  	s31 =	sadd.s32 $0xFFFFFFFF, s12;
	s15 =	sshrl.u32 @!p0 s11, $0x3;
	s14 =	sshll.u32 @!p0 s14, $0x5  }
0x17: {  	s16 =	sand.u32 @!p0 $0x7, s11;
	s15 =	sadd.s32 @!p0 s4, s15;
	s14 =	sand.u32 @!p0 $0x20, s14  }
0x18: {  	[tilespmem:s14], [sflag:$0x2] =	stream.linear.gather @!p0 [hbm4b:s15+s16], $0x20, $0x38;
	[tilespmem:$0x80] =	vst v63  }
0x19: {  	p0 =	sge.u32 s31, s7  }
.Ltmp2:
0x1a: {  	_ = 	snop;
	(pc) =	sbr.rel @p0 .LBB2_5-.Ltmp2, $1  }
0x1b: {  	_ =	sdelay $0x3  }
0x1c: {  	_ =	swait.ge [sflag:s6], $0x20;
	s14 =	sshll.u32 s12, $0x5;
	s16 =	simm.s32 $0x0  }
0x1d: {  	p0 =	por $0x1, $0x1;
	[sflag:s6] =	ssyncset.done $0x0;
	s15 =	sand.u32 $0x20, s14  }
0x1e: {  	[sflag:s6] =	ssyncadd.s32 $0xFFFFFFE0;
	(ifvalue) =	ssetifvalue $0x7FFFFFFF;
	s14 =	sor.u32 $0x40, s15  }
.LBB2_3:
0x1f: {  	s17 =	sadd.s32 s16, s15  }
0x20: {  	v0 =	vld.msk [tilespmem:s17+$0x0 ss:$0x1], $0xffff;
	_ =	sdelay $0x4  }
0x21: {  	v1 =	vshrl.u32 v0, $0xB;
	v2 =	vshll.u32 v0, $0x7  }
0x22: {  	vm1 =	veq.s32 v0, $0x80000000;
	v61 =	vand.u32 $0x7, v1;
	v62 =	vand.u32 $0x3FF80, v2  }
0x23: {  	v0 =	vsel vm1, $0xFFFFFFFF, v61;
	v1 =	vsel vm1, $0xFFFFFF80, v62  }
0x24: {  	v63 =	vand.u32 $0xFFFFFC00, v1;
	v3 =	vand.u32 $0xFFFFFC00, v0  }
0x25: {  	v1 =	vand.u32 $0x380, v1;
	v2 =	vadd.s32 v3, v63  }
0x26: {  	v0 =	vand.u32 $0x7F, v0;
	v1 =	vor.u32 v1, v2  }
0x27: {  	p1 =	por p0, p0;
	v0 =	vor.u32 v0, v1  }
.Ltmp3:
0x28: {  	_ = 	snop;
	(pc) =	sbr.rel @p1 .LBB2_3-.Ltmp3, $4  }
0x29: {  	_ = 	snop  }
0x2a: {  	s31 =	sadd.s32 s16, s14  }
0x2b: {  	s16 =	simm.s32 $0x10;
	p0 =	por $0x0, $0x0;
	(ifvalue) =	ssetifvalue $0x7FFFFFFF  }
0x2c: {  	[tilespmem:s31], [sflag:$0x1] =	stream.indirect_vreg.gather [hbm4b:s2+s10], $0x1, v0, vm0, $0x4038;
	[tilespmem:$0x80] =	vst v63  }
.Ltmp4:
0x2d: {  	(pc) =	sbr.rel .LBB2_5-.Ltmp4, $4  }
0x2e: {  	_ =	swait.ge [sflag:s5], $0x20  }
0x2f: {  	s15 =	sshrl.u32 s13, $0x3;
	[sflag:s5] =	ssyncset.done $0x0  }
0x30: {  	s31 =	sand.u32 $0x7, s13;
	s15 =	sadd.s32 s8, s15;
	[sflag:s5] =	ssyncadd.s32 $0xFFFFFFE0  }
0x31: {  	[hbm4b:s15+s31] =	stream.linear.scatter [tilespmem:s14], [sflag:$0x3], $0x20, $0x38;
	[tilespmem:$0x80] =	vst v63  }
.LBB2_6:
0x32: {  	_ =	sfence.sel $0x180000  }
0x33: {  	s2 =	simm.s32 $0x2;
	[bflag:$0x0] =	sbarrier.arrive $0xFFFF  }
0x34: {  	s30 =	simm.s32 $0x3;
	[sflag:s2] =	ssyncpa.u1 $0x1  }
0x35: {  	s31 =	simm.s32 $0x1;
	[sflag:s30] =	ssyncpa.u1 $0x1  }
0x36: {  	[sflag:s31] =	ssyncpa.u1 $0x1  }
0x37: {  	p0 =	sne.s32 s0, $0x0;
	_ =	strace $0x90000047  }
0x38: {  	s0 =	sadd.s32 @!p0 $0x100000, s1;
	[bflag:$0x2] =	sbarrier.arrive $0xFFFF  }
0x39: {  	[sflag:s0] =	ssyncadd.tile.s32 @!p0 $0x1;
	_ =	shalt  }
.Lfunc_end2:
_tile_overlayer_lowered:
.L_overlay_start_2:
0x3a: {  	(tag) =	ssettag $0x2  }
0x3b: {  	s0 =	rddreg [dreg:$0x0];
	s2 =	stileid.u32  }
0x3c: {  	s1 =	rddreg [dreg:$0x1];
	p0 =	sne.s32 s2, $0x0  }
0x3d: {  	s3 =	rddreg [dreg:$0x2];
	[bflag:$0x3] =	sbarrier.arrive $0xFFFF;
	s2 =	simm.s32 @!p0 $0x1C01  }
0x3e: {  	[timem:s3], [sflag:s2] =	dma.local @!p0 [hbm:s0], s1  }
0x3f: {  	s0 =	simm.s32 @!p0 $0x1  }
0x40: {  	_ =	swait.ge @!p0 [sflag:s0], s1  }
0x41: {  	s1 =	ssub.s32 @!p0 $0x0, s1;
	[sflag:s0] =	ssyncset.done @!p0 $0x0  }
0x42: {  	[sflag:s0] =	ssyncadd.s32 @!p0 s1  }
0x43: {  	[bflag:$0x3] =	sbarrier.arrive $0xFFFF  }
0x44: {  	_ =	shalt  }

// kernel: gather_offload_async_start.2
scs
__scs_entry_jumppad:
0x0: {  	(pc) =	sbr.rel $0x88, $3  }
0x1: {  	(tag) =	ssettag $0x0;
	lr =	simm.s32 $0x1  }
0x2: {  	[smem:$0x3F9D] =	sst lr;
	_ =	strace $0xD0000000  }
0x3: {  	_ = 	snop  }
0x4: {  	_ = 	snop  }
0x5: {  	_ = 	snop  }
0x6: {  	_ = 	snop  }
0x7: {  	_ = 	snop  }
__scs_overlays_trampoline_lowered:
0x8: {  	[smem:$0x3FAC] =	sst s0  }
0x9: {  	[smem:$0x3FAD] =	sst s1  }
0xa: {  	[smem:$0x3FAE] =	sst s2  }
0xb: {  	[smem:$0x3FAF] =	sst s3  }
0xc: {  	[smem:$0x3FB0] =	sst s4  }
0xd: {  	[smem:$0x3FB1] =	sst s5  }
0xe: {  	[smem:$0x3FB2] =	sst s6  }
0xf: {  	[smem:$0x3FB3] =	sst s7  }
0x10: {  	[smem:$0x3FB4] =	sst s8  }
0x11: {  	[smem:$0x3FB5] =	sst s9;
	s0 =	simm.s32 @!p0 $0x0  }
0x12: {  	s1 =	sld [smem:$0x3F9B];
	s0 =	simm.s32 @p0 $0x1  }
0x13: {  	[smem:$0x3FB6] =	sst s0;
	s0 =	simm.s32 @!p1 $0x0  }
0x14: {  	s2 =	sld [smem:$0x3F9A];
	s0 =	simm.s32 @p1 $0x1  }
0x15: {  	[smem:$0x3FB7] =	sst s0;
	s0 =	simm.s32 @!p2 $0x0  }
0x16: {  	s3 =	sld [smem:$0x3FDB];
	s0 =	simm.s32 @p2 $0x1  }
0x17: {  	s4 =	simm.s32 $0x1BF5;
	[smem:$0x3FB9] =	sst s0  }
0x18: {  	s0 =	sld [smem:$0x3F9C];
	_ =	swait.ge [sflag:s4], $0x0  }
0x19: {  	s7 =	sld [smem:$0x3F9D]  }
0x1a: {  	s8 =	sadd.s32 $0xFFFFE003, lr  }
0x1b: {  	s9 =	sadd.s32 $0xFFFFFEF7, lr;
	s5 =	simm.s32 $0xFFFFFFFF;
	p2 =	slt.u32 s8, $0xFFFFF086  }
0x1c: {  	p1 =	slt.u32 s9, $0xF7A;
	s5 =	simm.s32 @!p2 $0x0  }
0x1d: {  	s5 =	simm.s32 @p1 $0x1;
	p0 =	seq.s32 s7, s2  }
0x1e: {  	s7 =	smul.u32 @!p0 $0xF7A, s2;
	p2 =	seq.s32 @!p0 s5, $0x0  }
0x1f: {  	s9 =	smul.u32 $0xF7A, s1;
	s8 =	simm.s32 @!p0 $0x1BF5;
	p2 =	por !p2, p0  }
0x20: {  	[sflag:s8] =	ssyncset.s32 @!p0 $0xFFFFF086;
	s6 =	sadd.s32 @!p0 s3, s7;
	s7 =	simm.s32 @!p0 $0x108  }
0x21: {  	s3 =	sadd.s32 s3, s9;
	s6 =	sadd.s32 @!p0 $0x88, s6;
	s7 =	simm.s32 @p2 $0x1082  }
0x22: {  	[simem:s7], [sflag:s8] =	dma.local @!p0 [hbm:s6], $0xF7A  }
0x23: {  	s9 =	sor.u32 $0xD0000000, s2;
	s6 =	simm.s32 $0x108;
	_ =	swait.ge @!p0 [sflag:s8], $0x0  }
0x24: {  	s3 =	sadd.s32 $0x88, s3;
	s6 =	simm.s32 @!p1 $0x1082;
	[sflag:s4] =	ssyncset.s32 $0xFFFFF086  }
0x25: {  	[simem:s6], [sflag:s4] =	dma.local [hbm:s3], $0xF7A  }
0x26: {  	[smem:$0x3F9D] =	sst s1;
	(tag) =	ssettag s2;
	_ =	strace s9  }
0x27: {  	s1 =	sld [smem:$0x3FAD]  }
0x28: {  	s2 =	sld [smem:$0x3FAE]  }
0x29: {  	s4 =	sld [smem:$0x3FB0]  }
0x2a: {  	p0 =	seq.s32 s5, $0x0;
	s5 =	sld [smem:$0x3FB1]  }
0x2b: {  	s6 =	sld [smem:$0x3FB2]  }
0x2c: {  	s7 =	sld [smem:$0x3FB3]  }
0x2d: {  	s3 =	simm.s32 $0x108;
	s8 =	sld [smem:$0x3FB4]  }
0x2e: {  	s3 =	simm.s32 @!p0 $0x1082;
	s9 =	sld [smem:$0x3FB5]  }
0x2f: {  	lr =	sadd.s32 s0, s3;
	s0 =	sld [smem:$0x3FAC]  }
0x30: {  	s3 =	sld [smem:$0x3FAF]  }
0x31: {  	[smem:$0x3FB8] =	sst s10  }
0x32: {  	s10 =	sld [smem:$0x3FB6];
	_ =	sdelay $0x3  }
0x33: {  	p0 =	seq.s32 s10, $0x1;
	s10 =	sld [smem:$0x3FB8];
	_ =	sdelay $0x3  }
0x34: {  	[smem:$0x3FB8] =	sst s10  }
0x35: {  	s10 =	sld [smem:$0x3FB7];
	_ =	sdelay $0x3  }
0x36: {  	p1 =	seq.s32 s10, $0x1;
	s10 =	sld [smem:$0x3FB8];
	_ =	sdelay $0x3  }
0x37: {  	[smem:$0x3FB8] =	sst s10  }
0x38: {  	s10 =	sld [smem:$0x3FB9]  }
0x39: {  	_ = 	snop;
	(pc) =	sbr.ind lr, $3  }
0x3a: {  	_ = 	snop  }
0x3b: {  	_ = 	snop  }
0x3c: {  	p2 =	seq.s32 s10, $0x1;
	s10 =	sld [smem:$0x3FB8]  }
0x3d: {  	_ =	shalt  }
0x3e: {  	_ =	shalt  }
0x3f: {  	_ =	shalt  }
0x40: {  	_ =	shalt  }
0x41: {  	_ =	shalt  }
0x42: {  	_ =	shalt  }
0x43: {  	_ =	shalt  }
0x44: {  	_ =	shalt  }
0x45: {  	_ =	shalt  }
0x46: {  	_ =	shalt  }
0x47: {  	_ =	shalt  }
0x48: {  	_ =	shalt  }
0x49: {  	_ =	shalt  }
0x4a: {  	_ =	shalt  }
0x4b: {  	_ =	shalt  }
0x4c: {  	_ =	shalt  }
0x4d: {  	_ =	shalt  }
0x4e: {  	_ =	shalt  }
0x4f: {  	_ =	shalt  }
0x50: {  	_ =	shalt  }
0x51: {  	_ =	shalt  }
0x52: {  	_ =	shalt  }
0x53: {  	_ =	shalt  }
0x54: {  	_ =	shalt  }
0x55: {  	_ =	shalt  }
0x56: {  	_ =	shalt  }
0x57: {  	_ =	shalt  }
0x58: {  	_ =	shalt  }
0x59: {  	_ =	shalt  }
0x5a: {  	_ =	shalt  }
0x5b: {  	_ =	shalt  }
0x5c: {  	_ =	shalt  }
0x5d: {  	_ =	shalt  }
0x5e: {  	_ =	shalt  }
0x5f: {  	_ =	shalt  }
0x60: {  	_ =	shalt  }
0x61: {  	_ =	shalt  }
0x62: {  	_ =	shalt  }
0x63: {  	_ =	shalt  }
0x64: {  	_ =	shalt  }
0x65: {  	_ =	shalt  }
0x66: {  	_ =	shalt  }
0x67: {  	_ =	shalt  }
0x68: {  	_ =	shalt  }
0x69: {  	_ =	shalt  }
0x6a: {  	_ =	shalt  }
0x6b: {  	_ =	shalt  }
0x6c: {  	_ =	shalt  }
0x6d: {  	_ =	shalt  }
0x6e: {  	_ =	shalt  }
0x6f: {  	_ =	shalt  }
0x70: {  	_ =	shalt  }
0x71: {  	_ =	shalt  }
0x72: {  	_ =	shalt  }
0x73: {  	_ =	shalt  }
0x74: {  	_ =	shalt  }
0x75: {  	_ =	shalt  }
0x76: {  	_ =	shalt  }
0x77: {  	_ =	shalt  }
0x78: {  	_ =	shalt  }
0x79: {  	_ =	shalt  }
0x7a: {  	_ =	shalt  }
0x7b: {  	_ =	shalt  }
0x7c: {  	_ =	shalt  }
0x7d: {  	_ =	shalt  }
0x7e: {  	_ =	shalt  }
0x7f: {  	_ =	shalt  }
0x80: {  	_ =	shalt  }
0x81: {  	_ =	shalt  }
0x82: {  	_ =	shalt  }
0x83: {  	_ =	shalt  }
0x84: {  	_ =	shalt  }
0x85: {  	_ =	shalt  }
0x86: {  	_ =	shalt  }
0x87: {  	_ =	shalt  }
.Lfunc_end0:
.L_simem_size_0:
called_computation.4_lowered:
.L_overlay_start_0:
0x88: {  	s2 =	sld [smem:$0x3FD9]  }
0x89: {  	s3 =	sld [smem:$0x3FFE];
	_ =	sdelay $0x1  }
0x8a: {  	s1 =	srdreg.scid  }
0x8b: {  	s0 =	sand.u32 $0x1, s1  }
0x8c: {  	s17 =	sshll.u32 s0, $0xA;
	s2 =	sadd.s32 s3, s2  }
0x8d: {  	s2 =	sadd.s32 s2, s17  }
0x8e: {  	[smem:$0x3FC4] =	sst s2  }
0x8f: {  	_ = 	snop  }
0x90: {  	s18 =	sld [smem:$0x3FD0];
	(tm) =	ssettm $0x1  }
0x91: {  	s19 =	sld [smem:$0x3FFB];
	_ =	sdelay $0x3  }
0x92: {  	_ =	strace s19  }
0x93: {  	s2 =	sld [smem:$0x3FFC];
	_ =	sdelay $0x3  }
0x94: {  	_ =	strace s2  }
0x95: {  	s2 =	sld [smem:$0x3FFD];
	_ =	sdelay $0x3  }
0x96: {  	_ =	strace s2  }
0x97: {  	_ =	strace $0x8FFFFFFF  }
0x98: {  	s20 =	sld [smem:$0x3FDB];
	_ =	sdelay $0x1  }
0x99: {  	s4 =	simm.s32 $_scs_section_size  }
0x9a: {  	s5 =	simm.s32 $_size__tile_overlayer_lowered;
	s6 =	simm.s32 $_tile_overlayer_lowered  }
0x9b: {  	s7 =	simm.s32 $0x1BFF;
	s21 =	sshll.u32 s6, $0x1;
	s4 =	sadd.s32 s4, s20  }
0x9c: {  	s22 =	simm.s32 $0x0;
	s5 =	sshll.u32 s5, $0x1;
	s6 =	sadd.s32 s21, s4  }
0x9d: {  	[timem:s22], [sflag:s7] =	dma.local [hbm:s6], s5  }
0x9e: {  	_ =	swait.ge [sflag:s7], s5  }
0x9f: {  	s5 =	ssub.s32 $0x0, s5;
	[sflag:s7] =	ssyncset.done $0x0  }
0xa0: {  	[sflag:s7] =	ssyncadd.s32 s5;
	_ =	sdelay $0x1  }
0xa1: {  	s23 =	simm.s32 $0x1B8B  }
0xa2: {  	_ =	swait.ge [sflag:s23], $0x1  }
0xa3: {  	[sflag:s23] =	ssyncset.done $0x0  }
0xa4: {  	[sflag:s23] =	ssyncadd.s32 $0xFFFFFFFF  }
0xa5: {  	s5 =	sld [smem:$0x0]  }
0xa6: {  	s6 =	sand.u32 $0xFFFFFFFE, s1  }
0xa7: {  	p0 =	sne.s32 s1, s6  }
0xa8: {  	s6 =	sshll.u32 @p0 s6, $0xE  }
0xa9: {  	s6 =	sadd.s32 @p0 $0x11B8D, s6;
	s7 =	sshll.u32 @p0 s5, $0x11  }
0xaa: {  	s6 =	sor.u32 @p0 s7, s6  }
0xab: {  	[sflag:s6] =	ssyncadd.remote.s32 @p0 $0x1;
	_ =	sdelay $0x1  }
0xac: {  	s6 =	simm.s32 @p0 $0x1B8D  }
0xad: {  	_ =	swait.eq @p0 [sflag:s6], $0x1  }
0xae: {  	[sflag:s6] =	ssyncadd.s32 @p0 $0xFFFFFFFF  }
0xaf: {  	s7 =	sshll.u32 @!p0 s1, $0xE  }
0xb0: {  	s7 =	sor.u32 @!p0 $0x4000, s7;
	s6 =	simm.s32 @!p0 $0x1B8D  }
0xb1: {  	s5 =	sshll.u32 @!p0 s5, $0x11;
	s7 =	sadd.s32 @!p0 $0x11B8D, s7;
	_ =	swait.eq @!p0 [sflag:s6], $0x1  }
0xb2: {  	s5 =	sor.u32 @!p0 s5, s7;
	[sflag:s6] =	ssyncadd.s32 @!p0 $0xFFFFFFFF  }
0xb3: {  	s25 =	simm.s32 $0x1B8E;
	s24 =	sld [smem:$0x3FFE];
	[sflag:s5] =	ssyncadd.remote.s32 @!p0 $0x1  }
0xb4: {  	s26 =	simm.s32 $execute0_lowered;
	[smem:$0x3FD2] =	sst s25  }
0xb5: {  	s6 =	sshll.u32 s26, $0x1;
	_ =	strace $0x80000055;
	[dreg:$0x1] =	wrdreg $0xFFFFFFFF  }
0xb6: {  	s28 =	simm.s32 $_size_execute0_lowered;
	s4 =	sadd.s32 s4, s6;
	[dreg:$0x0] =	wrdreg $0x0  }
0xb7: {  	s6 =	sshll.u32 s28, $0x1;
	[dreg:$0x2] =	wrdreg s4  }
0xb8: {  	[dreg:$0x3] =	wrdreg s6  }
0xb9: {  	[dreg:$0x4] =	wrdreg $0xC0  }
0xba: {  	_ =	task [dreg:s22], $0x5FFFF  }
0xbb: {  	[dreg:$0x1] =	wrdreg $0xFFFFFFFF  }
0xbc: {  	[dreg:$0x0] =	wrdreg $0x60  }
0xbd: {  	[dreg:$0x2] =	wrdreg s24  }
0xbe: {  	[dreg:$0x3] =	wrdreg s18  }
0xbf: {  	[dreg:$0x4] =	wrdreg $0x9  }
0xc0: {  	_ =	task.clear_ibuf [dreg:s22], $0x5FFFF;
	_ =	strace $0x90000055  }
0xc1: {  	s29 =	simm.s32 $0x9;
	_ =	strace $0x80000057  }
0xc2: {  	_ =	swait.ge [sflag:s29], $0x1  }
0xc3: {  	[sflag:s29] =	ssyncadd.s32 $0xFFFFFFFF  }
0xc4: {  	_ =	strace $0x90000057  }
0xc5: {  	_ =	sfence  }
0xc6: {  	s30 =	sld [smem:$0x0];
	_ =	sdelay $0x2  }
0xc7: {  	s31 =	sshll.u32 s1, $0xD;
	s1 =	sshrl.u32 s1, $0x2  }
0xc8: {  	s4 =	sand.u32 $0x4000, s31;
	s1 =	sadd.s32 s1, s30  }
0xc9: {  	s0 =	sor.u32 s4, s0;
	s1 =	sshll.u32 s1, $0x11  }
0xca: {  	s0 =	sor.u32 s1, s0  }
0xcb: {  	s0 =	sadd.s32 $0x8F2B, s0  }
0xcc: {  	[sflag:s0] =	ssyncadd.remote.s32 $0x1  }
0xcd: {  	_ =	sfence.sel $0xFFFF  }
0xce: {  	[dreg:$0x0] =	wrdreg $0xFFFFFFFF;
	(pc) =	sbr.abs _section_cstart, $3  }
0xcf: {  	[dreg:$0x1] =	wrdreg $0xFFFFFFFF  }
0xd0: {  	_ =	task.clear_ibuf [dreg:s22], $0x2FFFF;
	_ =	strace $0x9FFFFFFF  }
0xd1: {  	(tm) =	ssettm $0x7FFFFFFF  }
tec
execute0_lowered:
.L_overlay_start_1:
0x0: {  	(tag) =	ssettag $0x1  }
0x1: {  	s7 =	rddreg [dreg:$0x0]  }
0x2: {  	s2 =	rddreg [dreg:$0x1]  }
0x3: {  	s0 =	rddreg [dreg:$0x2]  }
0x4: {  	s1 =	srdreg.scid;
	_ =	strace $0x80000056;
	s4 =	simm.s32 $0x1  }
0x5: {  	s9 =	simm.s32 $0x3;
	s11 =	simm.s32 $0x0;
	s5 =	sshll.u32 s1, $0x4  }
.Ltmp0:
0x6: {  	s1 =	stileid.u32;
	s5 =	sand.u32 $0x10, s5;
	(pc) =	sbr.rel .LBB2_1-.Ltmp0, $4  }
0x7: {  	p0 =	por $0x0, $0x0;
	s3 =	sadd.s32 $0x20200, s7;
	s6 =	sor.u32 s1, s5  }
0x8: {  	[sflag:s4] =	ssyncpa.u1 $0x0;
	s5 =	simm.s32 $0x2;
	s6 =	sshll.u32 s6, $0x6  }
0x9: {  	s7 =	sadd.s32 $0x10000, s7;
	[sflag:s5] =	ssyncpa.u1 $0x0;
	s8 =	sadd.s32 $0x40, s6  }
0xa: {  	vm0 =	vmmov $0xff;
	vm1 =	vcmask $0x3F20;
	[sflag:s9] =	ssyncpa.u1 $0x0;
	s10 =	smov.u32 s6;
	s9 =	simm.s32 $0x0  }
.LBB2_9:
0xb: {  	p1 =	slt.u32 s9, $0x2;
	s11 =	sadd.s32 $0x20, s10  }
0xc: {  	s13 =	smov.u32 s6;
	s9 =	sadd.s32 $0x1, s9;
	p2 =	slt.s32 s11, s8  }
0xd: {  	s13 =	smov.u32 @p2 s11;
	p2 =	sne.s32 s9, $0x4  }
.Ltmp1:
0xe: {  	_ = 	snop;
	(pc) =	sbr.rel @!p2 .LBB2_10-.Ltmp1, $4  }
0xf: {  	s12 =	simm.s32 @!p1 $0x3  }
0x10: {  	_ =	swait.ge @!p1 [sflag:s12], $0x8000  }
0x11: {  	p0 =	por !p0, !p0;
	[sflag:s12] =	ssyncset.done @!p1 $0x0  }
0x12: {  	s11 =	smov.u32 s10;
	s10 =	smov.u32 s13;
	[sflag:s12] =	ssyncadd.s32 @!p1 $0xFFFF8000  }
.LBB2_1:
0x13: {  	p1 =	sgt.u32 s9, $0x1  }
0x14: {  	s12 =	sshll.u32 @!p1 s9, $0x5;
	s13 =	sshrl.u32 @!p1 s10, $0x3  }
0x15: {  	s14 =	sand.u32 @!p1 $0x7, s10;
	s12 =	sxor.u32 @!p1 $0x20, s12;
	s13 =	sadd.s32 @!p1 s7, s13  }
0x16: {  	[tilespmem:s12], [sflag:$0x2] =	stream.linear.gather @!p1 [hbm4b:s13+s14], $0x20, $0x38;
	[tilespmem:$0x10040] =	vst v63  }
0x17: {  	p1 =	seq.s32 s9, $0x0  }
0x18: {  	p2 =	seq.s32 @!p1 s9, $0x3  }
0x19: {  	p1 =	por p1, p2  }
.Ltmp2:
0x1a: {  	_ = 	snop;
	(pc) =	sbr.rel @p1 .LBB2_9-.Ltmp2, $1  }
0x1b: {  	_ =	sdelay $0x3  }
0x1c: {  	s12 =	simm.s32 $0x1  }
0x1d: {  	_ =	swait.ge [sflag:s5], $0x20;
	s13 =	sand.u32 $0x1, s9;
	s12 =	simm.s32 @!p0 $0x0  }
0x1e: {  	s15 =	simm.s32 $0x0;
	p2 =	por $0x1, $0x1;
	s12 =	sshll.u32 s12, $0x11  }
0x1f: {  	[sflag:s5] =	ssyncset.done $0x0;
	s13 =	sshll.u32 s13, $0x5;
	s14 =	sshrl.u32 s12, $0x2  }
0x20: {  	[sflag:s5] =	ssyncadd.s32 $0xFFFFFFE0;
	s12 =	sor.u32 $0x40, s14;
	s14 =	sadd.s32 $0x40, s14  }
.LBB2_3:
0x21: {  	s16 =	sshll.u32 s15, $0x4  }
0x22: {  	s16 =	sand.u32 $0x3FFFFFF0, s16  }
0x23: {  	s16 =	sadd.s32 s16, s13  }
0x24: {  	v0 =	vld.msk [tilespmem:s16+$0x0 ss:$0x1], $0xffff;
	_ =	sdelay $0x4  }
0x25: {  	vm2 =	vgt.s32 v0, $0x0  }
0x26: {  	v0 =	vnsel vm2, $0x0, v0  }
0x27: {  	v0 =	vmin.u32 v0, $0x17FF  }
0x28: {  	v1 =	vshll.u32 v0, $0x7;
	v0 =	vshll.u32 v0, $0x4  }
0x29: {  	v1 =	vand.u32 $0xFFC00, v1;
	v0 =	vand.u32 $0x70, v0  }
0x2a: {  	v0 =	vor.u32 v0, v1  }
0x2b: {  	s31 =	sshll.u32 s15, $0x10  }
0x2c: {  	s15 =	sshra.s32 s31, $0x2  }
0x2d: {  	s15 =	sadd.s32 s15, s14  }
0x2e: {  	s17 =	sadd.s32 $0x0, s15  }
0x2f: {  	[tilespmem:s17], [sflag:$0x1] =	stream.indirect_vreg.gather [hbm:s3], $0x80, v0, vm0, $0x38;
	[tilespmem:$0x10040] =	vst v63  }
0x30: {  	p1 =	por p2, p2;
	s16 =	simm.s32 $0x1000;
	v1 =	vadd.s32 $0x80, v0;
	s17 =	sadd.s32 $0x2000, s17  }
.LBB2_4:
0x31: {  	[tilespmem:s17], [sflag:$0x1] =	stream.indirect_vreg.gather [hbm:s3], $0x80, v0, vm1, $0x38;
	[tilespmem:$0x10040] =	vst v63  }
0x32: {  	v0 =	vmov v1;
	s17 =	smov.u32 s16;
	p2 =	sne.s32 s16, $0x7000  }
.Ltmp3:
0x33: {  	s16 =	sadd.s32 $0x1000, s16;
	(pc) =	sbr.rel @p2 .LBB2_4-.Ltmp3, $4  }
0x34: {  	s17 =	sshra.s32 s17, $0x2  }
0x35: {  	s17 =	sadd.s32 s17, s15  }
0x36: {  	[tilespmem:s17], [sflag:$0x1] =	stream.indirect_vreg.gather [hbm:s3], $0x80, v1, vm0, $0x38;
	[tilespmem:$0x10040] =	vst v63  }
0x37: {  	s17 =	sadd.s32 $0x2000, s17;
	v1 =	vadd.s32 $0x80, v1  }
0x38: {  	_ = 	snop  }
.Ltmp4:
0x39: {  	_ = 	snop;
	(pc) =	sbr.rel @p1 .LBB2_3-.Ltmp4, $3  }
0x3a: {  	_ =	sdelay $0x1  }
0x3b: {  	[tilespmem:s17], [sflag:$0x1] =	stream.indirect_vreg.gather [hbm:s3], $0x80, v0, vm1, $0x38;
	[tilespmem:$0x10040] =	vst v63  }
0x3c: {  	s15 =	simm.s32 $0x1;
	p2 =	por $0x0, $0x0  }
0x3d: {  	s13 =	sshll.u32 s11, $0x7  }
0x3e: {  	s31 =	sshll.u32 s11, $0x4;
	s13 =	sand.u32 $0xFFFFFC00, s13  }
0x3f: {  	_ =	swait.ge [sflag:s4], $0x8000;
	s11 =	sand.u32 $0x70, s31;
	s13 =	sadd.s32 s13, s2  }
0x40: {  	s14 =	sadd.s32 $0x2000, s12;
	[sflag:s4] =	ssyncset.done $0x0;
	s11 =	sadd.s32 s11, s13  }
0x41: {  	[sflag:s4] =	ssyncadd.s32 $0xFFFF8000;
	s13 =	simm.s32 $0x400;
	s15 =	sadd.s32 $0x0, s11  }
.LBB2_7:
0x42: {  	[hbm:s15] =	stream.linear.scatter [tilespmem:s12], [sflag:$0x3], $0x2000, $0x38;
	[tilespmem:$0x10040] =	vst v63  }
0x43: {  	s15 =	smov.u32 s13;
	s12 =	smov.u32 s14;
	p1 =	sne.s32 s13, $0xC00  }
.Ltmp5:
0x44: {  	s13 =	sadd.s32 $0x400, s13;
	(pc) =	sbr.rel @p1 .LBB2_7-.Ltmp5, $2  }
0x45: {  	_ =	sdelay $0x2  }
0x46: {  	s14 =	sadd.s32 $0x2000, s14;
	s15 =	sadd.s32 s15, s11  }
.Ltmp6:
0x47: {  	(pc) =	sbr.rel .LBB2_9-.Ltmp6, $2  }
0x48: {  	_ =	sdelay $0x2  }
0x49: {  	[hbm:s15] =	stream.linear.scatter [tilespmem:s12], [sflag:$0x3], $0x2000, $0x38;
	[tilespmem:$0x10040] =	vst v63  }
.LBB2_10:
0x4a: {  	_ =	sfence.sel $0x180000  }
0x4b: {  	s2 =	simm.s32 $0x2;
	[bflag:$0x0] =	sbarrier.arrive $0xFFFF  }
0x4c: {  	s30 =	simm.s32 $0x3;
	[sflag:s2] =	ssyncpa.u1 $0x1  }
0x4d: {  	s31 =	simm.s32 $0x1;
	[sflag:s30] =	ssyncpa.u1 $0x1  }
0x4e: {  	[sflag:s31] =	ssyncpa.u1 $0x1  }
0x4f: {  	p0 =	sne.s32 s1, $0x0;
	_ =	strace $0x90000056  }
0x50: {  	s0 =	sadd.s32 @!p0 $0x100000, s0;
	[bflag:$0x2] =	sbarrier.arrive $0xFFFF  }
0x51: {  	[sflag:s0] =	ssyncadd.tile.s32 @!p0 $0x1;
	_ =	shalt  }
.Lfunc_end2:
_tile_overlayer_lowered:
.L_overlay_start_2:
0x52: {  	(tag) =	ssettag $0x2  }
0x53: {  	s0 =	rddreg [dreg:$0x0];
	s2 =	stileid.u32  }
0x54: {  	s1 =	rddreg [dreg:$0x1];
	p0 =	sne.s32 s2, $0x0  }
0x55: {  	s3 =	rddreg [dreg:$0x2];
	[bflag:$0x3] =	sbarrier.arrive $0xFFFF;
	s2 =	simm.s32 @!p0 $0x1C01  }
0x56: {  	[timem:s3], [sflag:s2] =	dma.local @!p0 [hbm:s0], s1  }
0x57: {  	s0 =	simm.s32 @!p0 $0x1  }
0x58: {  	_ =	swait.ge @!p0 [sflag:s0], s1  }
0x59: {  	s1 =	ssub.s32 @!p0 $0x0, s1;
	[sflag:s0] =	ssyncset.done @!p0 $0x0  }
0x5a: {  	[sflag:s0] =	ssyncadd.s32 @!p0 s1  }
0x5b: {  	[bflag:$0x3] =	sbarrier.arrive $0xFFFF  }
0x5c: {  	_ =	shalt  }

// kernel: gather_offload_async_start.3
scs
__scs_entry_jumppad:
0x0: {  	(pc) =	sbr.rel $0x88, $3  }
0x1: {  	(tag) =	ssettag $0x0;
	lr =	simm.s32 $0x1  }
0x2: {  	[smem:$0x3F9D] =	sst lr;
	_ =	strace $0xD0000000  }
0x3: {  	_ = 	snop  }
0x4: {  	_ = 	snop  }
0x5: {  	_ = 	snop  }
0x6: {  	_ = 	snop  }
0x7: {  	_ = 	snop  }
__scs_overlays_trampoline_lowered:
0x8: {  	[smem:$0x3FAC] =	sst s0  }
0x9: {  	[smem:$0x3FAD] =	sst s1  }
0xa: {  	[smem:$0x3FAE] =	sst s2  }
0xb: {  	[smem:$0x3FAF] =	sst s3  }
0xc: {  	[smem:$0x3FB0] =	sst s4  }
0xd: {  	[smem:$0x3FB1] =	sst s5  }
0xe: {  	[smem:$0x3FB2] =	sst s6  }
0xf: {  	[smem:$0x3FB3] =	sst s7  }
0x10: {  	[smem:$0x3FB4] =	sst s8  }
0x11: {  	[smem:$0x3FB5] =	sst s9;
	s0 =	simm.s32 @!p0 $0x0  }
0x12: {  	s1 =	sld [smem:$0x3F9B];
	s0 =	simm.s32 @p0 $0x1  }
0x13: {  	[smem:$0x3FB6] =	sst s0;
	s0 =	simm.s32 @!p1 $0x0  }
0x14: {  	s2 =	sld [smem:$0x3F9A];
	s0 =	simm.s32 @p1 $0x1  }
0x15: {  	[smem:$0x3FB7] =	sst s0;
	s0 =	simm.s32 @!p2 $0x0  }
0x16: {  	s3 =	sld [smem:$0x3FDB];
	s0 =	simm.s32 @p2 $0x1  }
0x17: {  	s4 =	simm.s32 $0x1BF5;
	[smem:$0x3FB9] =	sst s0  }
0x18: {  	s0 =	sld [smem:$0x3F9C];
	_ =	swait.ge [sflag:s4], $0x0  }
0x19: {  	s7 =	sld [smem:$0x3F9D]  }
0x1a: {  	s8 =	sadd.s32 $0xFFFFE003, lr  }
0x1b: {  	s9 =	sadd.s32 $0xFFFFFEF7, lr;
	s5 =	simm.s32 $0xFFFFFFFF;
	p2 =	slt.u32 s8, $0xFFFFF086  }
0x1c: {  	p1 =	slt.u32 s9, $0xF7A;
	s5 =	simm.s32 @!p2 $0x0  }
0x1d: {  	s5 =	simm.s32 @p1 $0x1;
	p0 =	seq.s32 s7, s2  }
0x1e: {  	s7 =	smul.u32 @!p0 $0xF7A, s2;
	p2 =	seq.s32 @!p0 s5, $0x0  }
0x1f: {  	s9 =	smul.u32 $0xF7A, s1;
	s8 =	simm.s32 @!p0 $0x1BF5;
	p2 =	por !p2, p0  }
0x20: {  	[sflag:s8] =	ssyncset.s32 @!p0 $0xFFFFF086;
	s6 =	sadd.s32 @!p0 s3, s7;
	s7 =	simm.s32 @!p0 $0x108  }
0x21: {  	s3 =	sadd.s32 s3, s9;
	s6 =	sadd.s32 @!p0 $0x88, s6;
	s7 =	simm.s32 @p2 $0x1082  }
0x22: {  	[simem:s7], [sflag:s8] =	dma.local @!p0 [hbm:s6], $0xF7A  }
0x23: {  	s9 =	sor.u32 $0xD0000000, s2;
	s6 =	simm.s32 $0x108;
	_ =	swait.ge @!p0 [sflag:s8], $0x0  }
0x24: {  	s3 =	sadd.s32 $0x88, s3;
	s6 =	simm.s32 @!p1 $0x1082;
	[sflag:s4] =	ssyncset.s32 $0xFFFFF086  }
0x25: {  	[simem:s6], [sflag:s4] =	dma.local [hbm:s3], $0xF7A  }
0x26: {  	[smem:$0x3F9D] =	sst s1;
	(tag) =	ssettag s2;
	_ =	strace s9  }
0x27: {  	s1 =	sld [smem:$0x3FAD]  }
0x28: {  	s2 =	sld [smem:$0x3FAE]  }
0x29: {  	s4 =	sld [smem:$0x3FB0]  }
0x2a: {  	p0 =	seq.s32 s5, $0x0;
	s5 =	sld [smem:$0x3FB1]  }
0x2b: {  	s6 =	sld [smem:$0x3FB2]  }
0x2c: {  	s7 =	sld [smem:$0x3FB3]  }
0x2d: {  	s3 =	simm.s32 $0x108;
	s8 =	sld [smem:$0x3FB4]  }
0x2e: {  	s3 =	simm.s32 @!p0 $0x1082;
	s9 =	sld [smem:$0x3FB5]  }
0x2f: {  	lr =	sadd.s32 s0, s3;
	s0 =	sld [smem:$0x3FAC]  }
0x30: {  	s3 =	sld [smem:$0x3FAF]  }
0x31: {  	[smem:$0x3FB8] =	sst s10  }
0x32: {  	s10 =	sld [smem:$0x3FB6];
	_ =	sdelay $0x3  }
0x33: {  	p0 =	seq.s32 s10, $0x1;
	s10 =	sld [smem:$0x3FB8];
	_ =	sdelay $0x3  }
0x34: {  	[smem:$0x3FB8] =	sst s10  }
0x35: {  	s10 =	sld [smem:$0x3FB7];
	_ =	sdelay $0x3  }
0x36: {  	p1 =	seq.s32 s10, $0x1;
	s10 =	sld [smem:$0x3FB8];
	_ =	sdelay $0x3  }
0x37: {  	[smem:$0x3FB8] =	sst s10  }
0x38: {  	s10 =	sld [smem:$0x3FB9]  }
0x39: {  	_ = 	snop;
	(pc) =	sbr.ind lr, $3  }
0x3a: {  	_ = 	snop  }
0x3b: {  	_ = 	snop  }
0x3c: {  	p2 =	seq.s32 s10, $0x1;
	s10 =	sld [smem:$0x3FB8]  }
0x3d: {  	_ =	shalt  }
0x3e: {  	_ =	shalt  }
0x3f: {  	_ =	shalt  }
0x40: {  	_ =	shalt  }
0x41: {  	_ =	shalt  }
0x42: {  	_ =	shalt  }
0x43: {  	_ =	shalt  }
0x44: {  	_ =	shalt  }
0x45: {  	_ =	shalt  }
0x46: {  	_ =	shalt  }
0x47: {  	_ =	shalt  }
0x48: {  	_ =	shalt  }
0x49: {  	_ =	shalt  }
0x4a: {  	_ =	shalt  }
0x4b: {  	_ =	shalt  }
0x4c: {  	_ =	shalt  }
0x4d: {  	_ =	shalt  }
0x4e: {  	_ =	shalt  }
0x4f: {  	_ =	shalt  }
0x50: {  	_ =	shalt  }
0x51: {  	_ =	shalt  }
0x52: {  	_ =	shalt  }
0x53: {  	_ =	shalt  }
0x54: {  	_ =	shalt  }
0x55: {  	_ =	shalt  }
0x56: {  	_ =	shalt  }
0x57: {  	_ =	shalt  }
0x58: {  	_ =	shalt  }
0x59: {  	_ =	shalt  }
0x5a: {  	_ =	shalt  }
0x5b: {  	_ =	shalt  }
0x5c: {  	_ =	shalt  }
0x5d: {  	_ =	shalt  }
0x5e: {  	_ =	shalt  }
0x5f: {  	_ =	shalt  }
0x60: {  	_ =	shalt  }
0x61: {  	_ =	shalt  }
0x62: {  	_ =	shalt  }
0x63: {  	_ =	shalt  }
0x64: {  	_ =	shalt  }
0x65: {  	_ =	shalt  }
0x66: {  	_ =	shalt  }
0x67: {  	_ =	shalt  }
0x68: {  	_ =	shalt  }
0x69: {  	_ =	shalt  }
0x6a: {  	_ =	shalt  }
0x6b: {  	_ =	shalt  }
0x6c: {  	_ =	shalt  }
0x6d: {  	_ =	shalt  }
0x6e: {  	_ =	shalt  }
0x6f: {  	_ =	shalt  }
0x70: {  	_ =	shalt  }
0x71: {  	_ =	shalt  }
0x72: {  	_ =	shalt  }
0x73: {  	_ =	shalt  }
0x74: {  	_ =	shalt  }
0x75: {  	_ =	shalt  }
0x76: {  	_ =	shalt  }
0x77: {  	_ =	shalt  }
0x78: {  	_ =	shalt  }
0x79: {  	_ =	shalt  }
0x7a: {  	_ =	shalt  }
0x7b: {  	_ =	shalt  }
0x7c: {  	_ =	shalt  }
0x7d: {  	_ =	shalt  }
0x7e: {  	_ =	shalt  }
0x7f: {  	_ =	shalt  }
0x80: {  	_ =	shalt  }
0x81: {  	_ =	shalt  }
0x82: {  	_ =	shalt  }
0x83: {  	_ =	shalt  }
0x84: {  	_ =	shalt  }
0x85: {  	_ =	shalt  }
0x86: {  	_ =	shalt  }
0x87: {  	_ =	shalt  }
.Lfunc_end0:
.L_simem_size_0:
called_computation.5_lowered:
.L_overlay_start_0:
0x88: {  	s2 =	sld [smem:$0x3FD9]  }
0x89: {  	s3 =	sld [smem:$0x3FFE];
	_ =	sdelay $0x1  }
0x8a: {  	s1 =	srdreg.scid  }
0x8b: {  	s0 =	sand.u32 $0x1, s1  }
0x8c: {  	s16 =	sshll.u32 s0, $0xA;
	s2 =	sadd.s32 s3, s2  }
0x8d: {  	s2 =	sadd.s32 s2, s16  }
0x8e: {  	[smem:$0x3FC4] =	sst s2  }
0x8f: {  	_ = 	snop  }
0x90: {  	(tm) =	ssettm $0x1  }
0x91: {  	s17 =	sld [smem:$0x3FFB];
	_ =	sdelay $0x3  }
0x92: {  	_ =	strace s17  }
0x93: {  	s2 =	sld [smem:$0x3FFC];
	_ =	sdelay $0x3  }
0x94: {  	_ =	strace s2  }
0x95: {  	s2 =	sld [smem:$0x3FFD];
	_ =	sdelay $0x3  }
0x96: {  	_ =	strace s2  }
0x97: {  	_ =	strace $0x8FFFFFFF  }
0x98: {  	s18 =	sld [smem:$0x3FDB];
	_ =	sdelay $0x1  }
0x99: {  	s19 =	simm.s32 $_scs_section_size  }
0x9a: {  	s4 =	simm.s32 $_size__tile_overlayer_lowered;
	s5 =	simm.s32 $_tile_overlayer_lowered  }
0x9b: {  	s22 =	simm.s32 $0x1BFF;
	s21 =	sshll.u32 s5, $0x1;
	s2 =	sadd.s32 s19, s18  }
0x9c: {  	s6 =	simm.s32 $0x0;
	s20 =	sshll.u32 s4, $0x1;
	s4 =	sadd.s32 s21, s2  }
0x9d: {  	[timem:s6], [sflag:s22] =	dma.local [hbm:s4], s20  }
0x9e: {  	_ =	swait.ge [sflag:s22], s20  }
0x9f: {  	s3 =	ssub.s32 $0x0, s20;
	[sflag:s22] =	ssyncset.done $0x0  }
0xa0: {  	[sflag:s22] =	ssyncadd.s32 s3;
	_ =	sdelay $0x1  }
0xa1: {  	s23 =	simm.s32 $0x1B8B  }
0xa2: {  	_ =	swait.ge [sflag:s23], $0x1  }
0xa3: {  	[sflag:s23] =	ssyncset.done $0x0  }
0xa4: {  	s25 =	simm.s32 $0x1B8E;
	s24 =	sld [smem:$0x3FFE];
	[sflag:s23] =	ssyncadd.s32 $0xFFFFFFFF  }
0xa5: {  	s26 =	simm.s32 $execute0_lowered;
	[smem:$0x3FD2] =	sst s25  }
0xa6: {  	s4 =	sshll.u32 s26, $0x1;
	_ =	strace $0x80000052;
	[dreg:$0x1] =	wrdreg $0xFFFFFFFF  }
0xa7: {  	s28 =	simm.s32 $_size_execute0_lowered;
	s2 =	sadd.s32 s2, s4;
	[dreg:$0x0] =	wrdreg $0x0  }
0xa8: {  	s4 =	sshll.u32 s28, $0x1;
	[dreg:$0x2] =	wrdreg s2  }
0xa9: {  	[dreg:$0x3] =	wrdreg s4  }
0xaa: {  	[dreg:$0x4] =	wrdreg $0xC0  }
0xab: {  	_ =	task [dreg:s6], $0x5FFFF  }
0xac: {  	[dreg:$0x1] =	wrdreg $0xFFFFFFFF  }
0xad: {  	[dreg:$0x0] =	wrdreg $0x60  }
0xae: {  	[dreg:$0x2] =	wrdreg s24  }
0xaf: {  	[dreg:$0x3] =	wrdreg $0xA  }
0xb0: {  	_ =	task.clear_ibuf [dreg:s6], $0x4FFFF;
	_ =	strace $0x90000052  }
0xb1: {  	s29 =	simm.s32 $0xA;
	_ =	strace $0x80000054  }
0xb2: {  	_ =	swait.ge [sflag:s29], $0x1  }
0xb3: {  	[sflag:s29] =	ssyncadd.s32 $0xFFFFFFFF  }
0xb4: {  	_ =	strace $0x90000054  }
0xb5: {  	_ =	sfence  }
0xb6: {  	s30 =	sld [smem:$0x0];
	_ =	sdelay $0x2  }
0xb7: {  	s31 =	sshll.u32 s1, $0xD;
	s1 =	sshrl.u32 s1, $0x2  }
0xb8: {  	s3 =	sand.u32 $0x4000, s31;
	s1 =	sadd.s32 s1, s30  }
0xb9: {  	s0 =	sor.u32 s3, s0;
	s1 =	sshll.u32 s1, $0x11  }
0xba: {  	s0 =	sor.u32 s1, s0  }
0xbb: {  	s0 =	sadd.s32 $0x8F2B, s0  }
0xbc: {  	[sflag:s0] =	ssyncadd.remote.s32 $0x1  }
0xbd: {  	_ =	sfence.sel $0xFFFF  }
0xbe: {  	[dreg:$0x0] =	wrdreg $0xFFFFFFFF;
	(pc) =	sbr.abs _section_cstart, $3  }
0xbf: {  	[dreg:$0x1] =	wrdreg $0xFFFFFFFF  }
0xc0: {  	_ =	task.clear_ibuf [dreg:s6], $0x2FFFF;
	_ =	strace $0x9FFFFFFF  }
0xc1: {  	(tm) =	ssettm $0x7FFFFFFF  }
tec
execute0_lowered:
.L_overlay_start_1:
0x0: {  	(tag) =	ssettag $0x1  }
0x1: {  	s7 =	rddreg [dreg:$0x0]  }
0x2: {  	s0 =	rddreg [dreg:$0x1];
	_ =	strace $0x80000053  }
0x3: {  	s1 =	srdreg.scid;
	s4 =	simm.s32 $0x1;
	s9 =	simm.s32 $0x3  }
0x4: {  	s11 =	simm.s32 $0x0;
	p0 =	por $0x0, $0x0;
	s5 =	sshll.u32 s1, $0x4  }
.Ltmp0:
0x5: {  	s1 =	stileid.u32;
	s5 =	sand.u32 $0x10, s5;
	(pc) =	sbr.rel .LBB2_1-.Ltmp0, $4  }
0x6: {  	s2 =	sadd.s32 $0x20200, s7;
	s3 =	sadd.s32 $0x321400, s7;
	s6 =	sor.u32 s1, s5  }
0x7: {  	[sflag:s4] =	ssyncpa.u1 $0x0;
	s5 =	simm.s32 $0x2;
	s6 =	sshll.u32 s6, $0x6  }
0x8: {  	s7 =	sadd.s32 $0xE0200, s7;
	[sflag:s5] =	ssyncpa.u1 $0x0;
	s8 =	sadd.s32 $0x40, s6  }
0x9: {  	vm0 =	vmmov $0xff;
	vm1 =	vcmask $0x3F20;
	[sflag:s9] =	ssyncpa.u1 $0x0;
	s10 =	smov.u32 s6;
	s9 =	simm.s32 $0x0  }
.LBB2_9:
0xa: {  	p1 =	slt.u32 s9, $0x2;
	s11 =	sadd.s32 $0x20, s10  }
0xb: {  	s13 =	smov.u32 s6;
	s9 =	sadd.s32 $0x1, s9;
	p2 =	slt.s32 s11, s8  }
0xc: {  	s13 =	smov.u32 @p2 s11;
	p2 =	sne.s32 s9, $0x4  }
.Ltmp1:
0xd: {  	_ = 	snop;
	(pc) =	sbr.rel @!p2 .LBB2_10-.Ltmp1, $4  }
0xe: {  	s12 =	simm.s32 @!p1 $0x3  }
0xf: {  	_ =	swait.ge @!p1 [sflag:s12], $0x8000  }
0x10: {  	p0 =	por !p0, !p0;
	[sflag:s12] =	ssyncset.done @!p1 $0x0  }
0x11: {  	s11 =	smov.u32 s10;
	s10 =	smov.u32 s13;
	[sflag:s12] =	ssyncadd.s32 @!p1 $0xFFFF8000  }
.LBB2_1:
0x12: {  	p1 =	sgt.u32 s9, $0x1  }
0x13: {  	s12 =	sshll.u32 @!p1 s9, $0x5;
	s13 =	sshrl.u32 @!p1 s10, $0x3  }
0x14: {  	s14 =	sand.u32 @!p1 $0x7, s10;
	s12 =	sxor.u32 @!p1 $0x20, s12;
	s13 =	sadd.s32 @!p1 s3, s13  }
0x15: {  	[tilespmem:s12], [sflag:$0x2] =	stream.linear.gather @!p1 [hbm4b:s13+s14], $0x20, $0x38;
	[tilespmem:$0x10040] =	vst v63  }
0x16: {  	p1 =	seq.s32 s9, $0x0  }
0x17: {  	p2 =	seq.s32 @!p1 s9, $0x3  }
0x18: {  	p1 =	por p1, p2  }
.Ltmp2:
0x19: {  	_ = 	snop;
	(pc) =	sbr.rel @p1 .LBB2_9-.Ltmp2, $1  }
0x1a: {  	_ =	sdelay $0x3  }
0x1b: {  	s12 =	simm.s32 $0x1  }
0x1c: {  	_ =	swait.ge [sflag:s5], $0x20;
	s13 =	sand.u32 $0x1, s9;
	s12 =	simm.s32 @!p0 $0x0  }
0x1d: {  	s15 =	simm.s32 $0x0;
	p2 =	por $0x1, $0x1;
	s12 =	sshll.u32 s12, $0x11  }
0x1e: {  	[sflag:s5] =	ssyncset.done $0x0;
	s13 =	sshll.u32 s13, $0x5;
	s14 =	sshrl.u32 s12, $0x2  }
0x1f: {  	[sflag:s5] =	ssyncadd.s32 $0xFFFFFFE0;
	s12 =	sor.u32 $0x40, s14;
	s14 =	sadd.s32 $0x40, s14  }
.LBB2_3:
0x20: {  	s16 =	sshll.u32 s15, $0x4  }
0x21: {  	s16 =	sand.u32 $0x3FFFFFF0, s16  }
0x22: {  	s16 =	sadd.s32 s16, s13  }
0x23: {  	v0 =	vld.msk [tilespmem:s16+$0x0 ss:$0x1], $0xffff;
	_ =	sdelay $0x4  }
0x24: {  	vm2 =	vgt.s32 v0, $0x0  }
0x25: {  	v0 =	vnsel vm2, $0x0, v0  }
0x26: {  	v0 =	vmin.u32 v0, $0x17FF  }
0x27: {  	v1 =	vshll.u32 v0, $0x7;
	v0 =	vshll.u32 v0, $0x4  }
0x28: {  	v1 =	vand.u32 $0xFFC00, v1;
	v0 =	vand.u32 $0x70, v0  }
0x29: {  	v0 =	vor.u32 v0, v1  }
0x2a: {  	s31 =	sshll.u32 s15, $0x10  }
0x2b: {  	s15 =	sshra.s32 s31, $0x2  }
0x2c: {  	s15 =	sadd.s32 s15, s14  }
0x2d: {  	s17 =	sadd.s32 $0x0, s15  }
0x2e: {  	[tilespmem:s17], [sflag:$0x1] =	stream.indirect_vreg.gather [hbm:s2], $0x80, v0, vm0, $0x38;
	[tilespmem:$0x10040] =	vst v63  }
0x2f: {  	p1 =	por p2, p2;
	s16 =	simm.s32 $0x1000;
	v1 =	vadd.s32 $0x80, v0;
	s17 =	sadd.s32 $0x2000, s17  }
.LBB2_4:
0x30: {  	[tilespmem:s17], [sflag:$0x1] =	stream.indirect_vreg.gather [hbm:s2], $0x80, v0, vm1, $0x38;
	[tilespmem:$0x10040] =	vst v63  }
0x31: {  	v0 =	vmov v1;
	s17 =	smov.u32 s16;
	p2 =	sne.s32 s16, $0x7000  }
.Ltmp3:
0x32: {  	s16 =	sadd.s32 $0x1000, s16;
	(pc) =	sbr.rel @p2 .LBB2_4-.Ltmp3, $4  }
0x33: {  	s17 =	sshra.s32 s17, $0x2  }
0x34: {  	s17 =	sadd.s32 s17, s15  }
0x35: {  	[tilespmem:s17], [sflag:$0x1] =	stream.indirect_vreg.gather [hbm:s2], $0x80, v1, vm0, $0x38;
	[tilespmem:$0x10040] =	vst v63  }
0x36: {  	s17 =	sadd.s32 $0x2000, s17;
	v1 =	vadd.s32 $0x80, v1  }
0x37: {  	_ = 	snop  }
.Ltmp4:
0x38: {  	_ = 	snop;
	(pc) =	sbr.rel @p1 .LBB2_3-.Ltmp4, $3  }
0x39: {  	_ =	sdelay $0x1  }
0x3a: {  	[tilespmem:s17], [sflag:$0x1] =	stream.indirect_vreg.gather [hbm:s2], $0x80, v0, vm1, $0x38;
	[tilespmem:$0x10040] =	vst v63  }
0x3b: {  	s15 =	simm.s32 $0x1;
	p2 =	por $0x0, $0x0  }
0x3c: {  	s13 =	sshll.u32 s11, $0x7  }
0x3d: {  	s31 =	sshll.u32 s11, $0x4;
	s13 =	sand.u32 $0xFFFFFC00, s13  }
0x3e: {  	_ =	swait.ge [sflag:s4], $0x8000;
	s11 =	sand.u32 $0x70, s31;
	s13 =	sadd.s32 s13, s7  }
0x3f: {  	s14 =	sadd.s32 $0x2000, s12;
	[sflag:s4] =	ssyncset.done $0x0;
	s11 =	sadd.s32 s11, s13  }
0x40: {  	[sflag:s4] =	ssyncadd.s32 $0xFFFF8000;
	s13 =	simm.s32 $0x400;
	s15 =	sadd.s32 $0x0, s11  }
.LBB2_7:
0x41: {  	[hbm:s15] =	stream.linear.scatter [tilespmem:s12], [sflag:$0x3], $0x2000, $0x38;
	[tilespmem:$0x10040] =	vst v63  }
0x42: {  	s15 =	smov.u32 s13;
	s12 =	smov.u32 s14;
	p1 =	sne.s32 s13, $0xC00  }
.Ltmp5:
0x43: {  	s13 =	sadd.s32 $0x400, s13;
	(pc) =	sbr.rel @p1 .LBB2_7-.Ltmp5, $2  }
0x44: {  	_ =	sdelay $0x2  }
0x45: {  	s14 =	sadd.s32 $0x2000, s14;
	s15 =	sadd.s32 s15, s11  }
.Ltmp6:
0x46: {  	(pc) =	sbr.rel .LBB2_9-.Ltmp6, $2  }
0x47: {  	_ =	sdelay $0x2  }
0x48: {  	[hbm:s15] =	stream.linear.scatter [tilespmem:s12], [sflag:$0x3], $0x2000, $0x38;
	[tilespmem:$0x10040] =	vst v63  }
.LBB2_10:
0x49: {  	_ =	sfence.sel $0x180000  }
0x4a: {  	s2 =	simm.s32 $0x2;
	[bflag:$0x0] =	sbarrier.arrive $0xFFFF  }
0x4b: {  	s30 =	simm.s32 $0x3;
	[sflag:s2] =	ssyncpa.u1 $0x1  }
0x4c: {  	s31 =	simm.s32 $0x1;
	[sflag:s30] =	ssyncpa.u1 $0x1  }
0x4d: {  	[sflag:s31] =	ssyncpa.u1 $0x1  }
0x4e: {  	p0 =	sne.s32 s1, $0x0;
	_ =	strace $0x90000053  }
0x4f: {  	s0 =	sadd.s32 @!p0 $0x100000, s0;
	[bflag:$0x2] =	sbarrier.arrive $0xFFFF  }
0x50: {  	[sflag:s0] =	ssyncadd.tile.s32 @!p0 $0x1;
	_ =	shalt  }
.Lfunc_end2:
_tile_overlayer_lowered:
.L_overlay_start_2:
0x51: {  	(tag) =	ssettag $0x2  }
0x52: {  	s0 =	rddreg [dreg:$0x0];
	s2 =	stileid.u32  }
0x53: {  	s1 =	rddreg [dreg:$0x1];
	p0 =	sne.s32 s2, $0x0  }
0x54: {  	s3 =	rddreg [dreg:$0x2];
	[bflag:$0x3] =	sbarrier.arrive $0xFFFF;
	s2 =	simm.s32 @!p0 $0x1C01  }
0x55: {  	[timem:s3], [sflag:s2] =	dma.local @!p0 [hbm:s0], s1  }
0x56: {  	s0 =	simm.s32 @!p0 $0x1  }
0x57: {  	_ =	swait.ge @!p0 [sflag:s0], s1  }
0x58: {  	s1 =	ssub.s32 @!p0 $0x0, s1;
	[sflag:s0] =	ssyncset.done @!p0 $0x0  }
0x59: {  	[sflag:s0] =	ssyncadd.s32 @!p0 s1  }
0x5a: {  	[bflag:$0x3] =	sbarrier.arrive $0xFFFF  }
0x5b: {  	_ =	shalt  }

// kernel: gather_offload_async_start
scs
__scs_entry_jumppad:
0x0: {  	(pc) =	sbr.rel $0x88, $3  }
0x1: {  	(tag) =	ssettag $0x0;
	lr =	simm.s32 $0x1  }
0x2: {  	[smem:$0x3F9D] =	sst lr;
	_ =	strace $0xD0000000  }
0x3: {  	_ = 	snop  }
0x4: {  	_ = 	snop  }
0x5: {  	_ = 	snop  }
0x6: {  	_ = 	snop  }
0x7: {  	_ = 	snop  }
__scs_overlays_trampoline_lowered:
0x8: {  	[smem:$0x3FAC] =	sst s0  }
0x9: {  	[smem:$0x3FAD] =	sst s1  }
0xa: {  	[smem:$0x3FAE] =	sst s2  }
0xb: {  	[smem:$0x3FAF] =	sst s3  }
0xc: {  	[smem:$0x3FB0] =	sst s4  }
0xd: {  	[smem:$0x3FB1] =	sst s5  }
0xe: {  	[smem:$0x3FB2] =	sst s6  }
0xf: {  	[smem:$0x3FB3] =	sst s7  }
0x10: {  	[smem:$0x3FB4] =	sst s8  }
0x11: {  	[smem:$0x3FB5] =	sst s9;
	s0 =	simm.s32 @!p0 $0x0  }
0x12: {  	s1 =	sld [smem:$0x3F9B];
	s0 =	simm.s32 @p0 $0x1  }
0x13: {  	[smem:$0x3FB6] =	sst s0;
	s0 =	simm.s32 @!p1 $0x0  }
0x14: {  	s2 =	sld [smem:$0x3F9A];
	s0 =	simm.s32 @p1 $0x1  }
0x15: {  	[smem:$0x3FB7] =	sst s0;
	s0 =	simm.s32 @!p2 $0x0  }
0x16: {  	s3 =	sld [smem:$0x3FDB];
	s0 =	simm.s32 @p2 $0x1  }
0x17: {  	s4 =	simm.s32 $0x1BF5;
	[smem:$0x3FB9] =	sst s0  }
0x18: {  	s0 =	sld [smem:$0x3F9C];
	_ =	swait.ge [sflag:s4], $0x0  }
0x19: {  	s7 =	sld [smem:$0x3F9D]  }
0x1a: {  	s8 =	sadd.s32 $0xFFFFE003, lr  }
0x1b: {  	s9 =	sadd.s32 $0xFFFFFEF7, lr;
	s5 =	simm.s32 $0xFFFFFFFF;
	p2 =	slt.u32 s8, $0xFFFFF086  }
0x1c: {  	p1 =	slt.u32 s9, $0xF7A;
	s5 =	simm.s32 @!p2 $0x0  }
0x1d: {  	s5 =	simm.s32 @p1 $0x1;
	p0 =	seq.s32 s7, s2  }
0x1e: {  	s7 =	smul.u32 @!p0 $0xF7A, s2;
	p2 =	seq.s32 @!p0 s5, $0x0  }
0x1f: {  	s9 =	smul.u32 $0xF7A, s1;
	s8 =	simm.s32 @!p0 $0x1BF5;
	p2 =	por !p2, p0  }
0x20: {  	[sflag:s8] =	ssyncset.s32 @!p0 $0xFFFFF086;
	s6 =	sadd.s32 @!p0 s3, s7;
	s7 =	simm.s32 @!p0 $0x108  }
0x21: {  	s3 =	sadd.s32 s3, s9;
	s6 =	sadd.s32 @!p0 $0x88, s6;
	s7 =	simm.s32 @p2 $0x1082  }
0x22: {  	[simem:s7], [sflag:s8] =	dma.local @!p0 [hbm:s6], $0xF7A  }
0x23: {  	s9 =	sor.u32 $0xD0000000, s2;
	s6 =	simm.s32 $0x108;
	_ =	swait.ge @!p0 [sflag:s8], $0x0  }
0x24: {  	s3 =	sadd.s32 $0x88, s3;
	s6 =	simm.s32 @!p1 $0x1082;
	[sflag:s4] =	ssyncset.s32 $0xFFFFF086  }
0x25: {  	[simem:s6], [sflag:s4] =	dma.local [hbm:s3], $0xF7A  }
0x26: {  	[smem:$0x3F9D] =	sst s1;
	(tag) =	ssettag s2;
	_ =	strace s9  }
0x27: {  	s1 =	sld [smem:$0x3FAD]  }
0x28: {  	s2 =	sld [smem:$0x3FAE]  }
0x29: {  	s4 =	sld [smem:$0x3FB0]  }
0x2a: {  	p0 =	seq.s32 s5, $0x0;
	s5 =	sld [smem:$0x3FB1]  }
0x2b: {  	s6 =	sld [smem:$0x3FB2]  }
0x2c: {  	s7 =	sld [smem:$0x3FB3]  }
0x2d: {  	s3 =	simm.s32 $0x108;
	s8 =	sld [smem:$0x3FB4]  }
0x2e: {  	s3 =	simm.s32 @!p0 $0x1082;
	s9 =	sld [smem:$0x3FB5]  }
0x2f: {  	lr =	sadd.s32 s0, s3;
	s0 =	sld [smem:$0x3FAC]  }
0x30: {  	s3 =	sld [smem:$0x3FAF]  }
0x31: {  	[smem:$0x3FB8] =	sst s10  }
0x32: {  	s10 =	sld [smem:$0x3FB6];
	_ =	sdelay $0x3  }
0x33: {  	p0 =	seq.s32 s10, $0x1;
	s10 =	sld [smem:$0x3FB8];
	_ =	sdelay $0x3  }
0x34: {  	[smem:$0x3FB8] =	sst s10  }
0x35: {  	s10 =	sld [smem:$0x3FB7];
	_ =	sdelay $0x3  }
0x36: {  	p1 =	seq.s32 s10, $0x1;
	s10 =	sld [smem:$0x3FB8];
	_ =	sdelay $0x3  }
0x37: {  	[smem:$0x3FB8] =	sst s10  }
0x38: {  	s10 =	sld [smem:$0x3FB9]  }
0x39: {  	_ = 	snop;
	(pc) =	sbr.ind lr, $3  }
0x3a: {  	_ = 	snop  }
0x3b: {  	_ = 	snop  }
0x3c: {  	p2 =	seq.s32 s10, $0x1;
	s10 =	sld [smem:$0x3FB8]  }
0x3d: {  	_ =	shalt  }
0x3e: {  	_ =	shalt  }
0x3f: {  	_ =	shalt  }
0x40: {  	_ =	shalt  }
0x41: {  	_ =	shalt  }
0x42: {  	_ =	shalt  }
0x43: {  	_ =	shalt  }
0x44: {  	_ =	shalt  }
0x45: {  	_ =	shalt  }
0x46: {  	_ =	shalt  }
0x47: {  	_ =	shalt  }
0x48: {  	_ =	shalt  }
0x49: {  	_ =	shalt  }
0x4a: {  	_ =	shalt  }
0x4b: {  	_ =	shalt  }
0x4c: {  	_ =	shalt  }
0x4d: {  	_ =	shalt  }
0x4e: {  	_ =	shalt  }
0x4f: {  	_ =	shalt  }
0x50: {  	_ =	shalt  }
0x51: {  	_ =	shalt  }
0x52: {  	_ =	shalt  }
0x53: {  	_ =	shalt  }
0x54: {  	_ =	shalt  }
0x55: {  	_ =	shalt  }
0x56: {  	_ =	shalt  }
0x57: {  	_ =	shalt  }
0x58: {  	_ =	shalt  }
0x59: {  	_ =	shalt  }
0x5a: {  	_ =	shalt  }
0x5b: {  	_ =	shalt  }
0x5c: {  	_ =	shalt  }
0x5d: {  	_ =	shalt  }
0x5e: {  	_ =	shalt  }
0x5f: {  	_ =	shalt  }
0x60: {  	_ =	shalt  }
0x61: {  	_ =	shalt  }
0x62: {  	_ =	shalt  }
0x63: {  	_ =	shalt  }
0x64: {  	_ =	shalt  }
0x65: {  	_ =	shalt  }
0x66: {  	_ =	shalt  }
0x67: {  	_ =	shalt  }
0x68: {  	_ =	shalt  }
0x69: {  	_ =	shalt  }
0x6a: {  	_ =	shalt  }
0x6b: {  	_ =	shalt  }
0x6c: {  	_ =	shalt  }
0x6d: {  	_ =	shalt  }
0x6e: {  	_ =	shalt  }
0x6f: {  	_ =	shalt  }
0x70: {  	_ =	shalt  }
0x71: {  	_ =	shalt  }
0x72: {  	_ =	shalt  }
0x73: {  	_ =	shalt  }
0x74: {  	_ =	shalt  }
0x75: {  	_ =	shalt  }
0x76: {  	_ =	shalt  }
0x77: {  	_ =	shalt  }
0x78: {  	_ =	shalt  }
0x79: {  	_ =	shalt  }
0x7a: {  	_ =	shalt  }
0x7b: {  	_ =	shalt  }
0x7c: {  	_ =	shalt  }
0x7d: {  	_ =	shalt  }
0x7e: {  	_ =	shalt  }
0x7f: {  	_ =	shalt  }
0x80: {  	_ =	shalt  }
0x81: {  	_ =	shalt  }
0x82: {  	_ =	shalt  }
0x83: {  	_ =	shalt  }
0x84: {  	_ =	shalt  }
0x85: {  	_ =	shalt  }
0x86: {  	_ =	shalt  }
0x87: {  	_ =	shalt  }
.Lfunc_end0:
.L_simem_size_0:
called_computation.2_lowered:
.L_overlay_start_0:
0x88: {  	s2 =	sld [smem:$0x3FD9]  }
0x89: {  	s3 =	sld [smem:$0x3FFE];
	_ =	sdelay $0x1  }
0x8a: {  	s1 =	srdreg.scid  }
0x8b: {  	s0 =	sand.u32 $0x1, s1  }
0x8c: {  	s17 =	sshll.u32 s0, $0xA;
	s2 =	sadd.s32 s3, s2  }
0x8d: {  	s2 =	sadd.s32 s2, s17  }
0x8e: {  	[smem:$0x3FC4] =	sst s2  }
0x8f: {  	_ = 	snop  }
0x90: {  	s18 =	sld [smem:$0x3FD0];
	(tm) =	ssettm $0x1  }
0x91: {  	s19 =	sld [smem:$0x3FFB];
	_ =	sdelay $0x3  }
0x92: {  	_ =	strace s19  }
0x93: {  	s2 =	sld [smem:$0x3FFC];
	_ =	sdelay $0x3  }
0x94: {  	_ =	strace s2  }
0x95: {  	s2 =	sld [smem:$0x3FFD];
	_ =	sdelay $0x3  }
0x96: {  	_ =	strace s2  }
0x97: {  	_ =	strace $0x8FFFFFFF  }
0x98: {  	s20 =	sld [smem:$0x3FDB];
	_ =	sdelay $0x1  }
0x99: {  	s4 =	simm.s32 $_scs_section_size  }
0x9a: {  	s5 =	simm.s32 $_size__tile_overlayer_lowered;
	s6 =	simm.s32 $_tile_overlayer_lowered  }
0x9b: {  	s7 =	simm.s32 $0x1BFF;
	s21 =	sshll.u32 s6, $0x1;
	s4 =	sadd.s32 s4, s20  }
0x9c: {  	s22 =	simm.s32 $0x0;
	s5 =	sshll.u32 s5, $0x1;
	s6 =	sadd.s32 s21, s4  }
0x9d: {  	[timem:s22], [sflag:s7] =	dma.local [hbm:s6], s5  }
0x9e: {  	_ =	swait.ge [sflag:s7], s5  }
0x9f: {  	s5 =	ssub.s32 $0x0, s5;
	[sflag:s7] =	ssyncset.done $0x0  }
0xa0: {  	[sflag:s7] =	ssyncadd.s32 s5;
	_ =	sdelay $0x1  }
0xa1: {  	s23 =	simm.s32 $0x1B8B  }
0xa2: {  	_ =	swait.ge [sflag:s23], $0x1  }
0xa3: {  	[sflag:s23] =	ssyncset.done $0x0  }
0xa4: {  	[sflag:s23] =	ssyncadd.s32 $0xFFFFFFFF  }
0xa5: {  	s5 =	sld [smem:$0x0]  }
0xa6: {  	s6 =	sand.u32 $0xFFFFFFFE, s1  }
0xa7: {  	p0 =	sne.s32 s1, s6  }
0xa8: {  	s6 =	sshll.u32 @p0 s6, $0xE  }
0xa9: {  	s6 =	sadd.s32 @p0 $0x11B8D, s6;
	s7 =	sshll.u32 @p0 s5, $0x11  }
0xaa: {  	s6 =	sor.u32 @p0 s7, s6  }
0xab: {  	[sflag:s6] =	ssyncadd.remote.s32 @p0 $0x1;
	_ =	sdelay $0x1  }
0xac: {  	s6 =	simm.s32 @p0 $0x1B8D  }
0xad: {  	_ =	swait.eq @p0 [sflag:s6], $0x1  }
0xae: {  	[sflag:s6] =	ssyncadd.s32 @p0 $0xFFFFFFFF  }
0xaf: {  	s7 =	sshll.u32 @!p0 s1, $0xE  }
0xb0: {  	s7 =	sor.u32 @!p0 $0x4000, s7;
	s6 =	simm.s32 @!p0 $0x1B8D  }
0xb1: {  	s5 =	sshll.u32 @!p0 s5, $0x11;
	s7 =	sadd.s32 @!p0 $0x11B8D, s7;
	_ =	swait.eq @!p0 [sflag:s6], $0x1  }
0xb2: {  	s5 =	sor.u32 @!p0 s5, s7;
	[sflag:s6] =	ssyncadd.s32 @!p0 $0xFFFFFFFF  }
0xb3: {  	s25 =	simm.s32 $0x1B8E;
	s24 =	sld [smem:$0x3FFE];
	[sflag:s5] =	ssyncadd.remote.s32 @!p0 $0x1  }
0xb4: {  	s26 =	simm.s32 $execute0_lowered;
	[smem:$0x3FD2] =	sst s25  }
0xb5: {  	s6 =	sshll.u32 s26, $0x1;
	_ =	strace $0x80000049;
	[dreg:$0x1] =	wrdreg $0xFFFFFFFF  }
0xb6: {  	s28 =	simm.s32 $_size_execute0_lowered;
	s4 =	sadd.s32 s4, s6;
	[dreg:$0x0] =	wrdreg $0x0  }
0xb7: {  	s6 =	sshll.u32 s28, $0x1;
	[dreg:$0x2] =	wrdreg s4  }
0xb8: {  	[dreg:$0x3] =	wrdreg s6  }
0xb9: {  	[dreg:$0x4] =	wrdreg $0xC0  }
0xba: {  	_ =	task [dreg:s22], $0x5FFFF  }
0xbb: {  	[dreg:$0x1] =	wrdreg $0xFFFFFFFF  }
0xbc: {  	[dreg:$0x0] =	wrdreg $0x60  }
0xbd: {  	[dreg:$0x2] =	wrdreg s18  }
0xbe: {  	[dreg:$0x3] =	wrdreg s24  }
0xbf: {  	[dreg:$0x4] =	wrdreg $0xB  }
0xc0: {  	_ =	task.clear_ibuf [dreg:s22], $0x5FFFF;
	_ =	strace $0x90000049  }
0xc1: {  	s29 =	simm.s32 $0xB;
	_ =	strace $0x8000004B  }
0xc2: {  	_ =	swait.ge [sflag:s29], $0x1  }
0xc3: {  	[sflag:s29] =	ssyncadd.s32 $0xFFFFFFFF  }
0xc4: {  	_ =	strace $0x9000004B  }
0xc5: {  	_ =	sfence  }
0xc6: {  	s30 =	sld [smem:$0x0];
	_ =	sdelay $0x2  }
0xc7: {  	s31 =	sshll.u32 s1, $0xD;
	s1 =	sshrl.u32 s1, $0x2  }
0xc8: {  	s4 =	sand.u32 $0x4000, s31;
	s1 =	sadd.s32 s1, s30  }
0xc9: {  	s0 =	sor.u32 s4, s0;
	s1 =	sshll.u32 s1, $0x11  }
0xca: {  	s0 =	sor.u32 s1, s0  }
0xcb: {  	s0 =	sadd.s32 $0x8F2B, s0  }
0xcc: {  	[sflag:s0] =	ssyncadd.remote.s32 $0x1  }
0xcd: {  	_ =	sfence.sel $0xFFFF  }
0xce: {  	[dreg:$0x0] =	wrdreg $0xFFFFFFFF;
	(pc) =	sbr.abs _section_cstart, $3  }
0xcf: {  	[dreg:$0x1] =	wrdreg $0xFFFFFFFF  }
0xd0: {  	_ =	task.clear_ibuf [dreg:s22], $0x2FFFF;
	_ =	strace $0x9FFFFFFF  }
0xd1: {  	(tm) =	ssettm $0x7FFFFFFF  }
tec
execute0_lowered:
.L_overlay_start_1:
0x0: {  	(tag) =	ssettag $0x1  }
0x1: {  	s1 =	srdreg.scid;
	s2 =	rddreg [dreg:$0x0]  }
0x2: {  	s0 =	stileid.u32;
	s8 =	rddreg [dreg:$0x1]  }
0x3: {  	s5 =	simm.s32 $0x1;
	s9 =	simm.s32 $0x1;
	s1 =	sshll.u32 s1, $0x5  }
0x4: {  	s10 =	simm.s32 $0x3;
	s3 =	sshll.u32 s0, $0x6;
	s4 =	sand.u32 $0x20, s1  }
0x5: {  	s13 =	simm.s32 $0x0;
	s12 =	simm.s32 $0x0;
	s3 =	sor.u32 s3, s4  }
0x6: {  	s1 =	rddreg [dreg:$0x2];
	_ =	strace $0x8000004A;
	s7 =	ssub.s32 $0x800, s3  }
.Ltmp0:
0x7: {  	s4 =	sadd.s32 $0x321800, s8;
	s6 =	sand.u32 $0x3E0, s7;
	(pc) =	sbr.rel .LBB2_1-.Ltmp0, $4  }
0x8: {  	[sflag:s5] =	ssyncpa.u1 $0x0;
	s8 =	sadd.s32 $0x20600, s8;
	p0 =	sne.s32 s6, $0x0  }
0x9: {  	s7 =	sshrl.u32 s7, $0xA;
	s6 =	simm.s32 $0x2;
	s9 =	simm.s32 @!p0 $0x0  }
0xa: {  	s11 =	smov.u32 s3;
	[sflag:s6] =	ssyncpa.u1 $0x0;
	s7 =	sadd.s32 s9, s7  }
0xb: {  	vm0 =	vmmov $0xffff;
	[sflag:s10] =	ssyncpa.u1 $0x0;
	s10 =	simm.s32 $0x0;
	s9 =	sadd.s32 $0x1, s7  }
.LBB2_5:
0xc: {  	s15 =	sadd.s32 $0x400, s11  }
0xd: {  	p1 =	sgt.s32 s15, $0x7FF  }
0xe: {  	s15 =	smov.u32 @p1 s3;
	p1 =	sne.s32 s12, s9  }
.Ltmp1:
0xf: {  	p0 =	slt.u32 s12, $0x2;
	(pc) =	sbr.rel @!p1 .LBB2_6-.Ltmp1, $4  }
0x10: {  	s14 =	simm.s32 @!p0 $0x3  }
0x11: {  	_ =	swait.ge @!p0 [sflag:s14], $0x20  }
0x12: {  	s16 =	sadd.s32 $0x1, s12;
	s13 =	smov.u32 s11;
	[sflag:s14] =	ssyncset.done @!p0 $0x0  }
0x13: {  	s12 =	smov.u32 s16;
	s11 =	smov.u32 s15;
	[sflag:s14] =	ssyncadd.s32 @!p0 $0xFFFFFFE0  }
.LBB2_1:
0x14: {  	p0 =	sge.u32 s12, s7  }
0x15: {  	s14 =	sxor.u32 @!p0 $0xFFFFFFFF, s12  }
0x16: {  	s31 =	sadd.s32 $0xFFFFFFFF, s12;
	s15 =	sshrl.u32 @!p0 s11, $0x3;
	s14 =	sshll.u32 @!p0 s14, $0x5  }
0x17: {  	s16 =	sand.u32 @!p0 $0x7, s11;
	s15 =	sadd.s32 @!p0 s4, s15;
	s14 =	sand.u32 @!p0 $0x20, s14  }
0x18: {  	[tilespmem:s14], [sflag:$0x2] =	stream.linear.gather @!p0 [hbm4b:s15+s16], $0x20, $0x38;
	[tilespmem:$0x80] =	vst v63  }
0x19: {  	p0 =	sge.u32 s31, s7  }
.Ltmp2:
0x1a: {  	_ = 	snop;
	(pc) =	sbr.rel @p0 .LBB2_5-.Ltmp2, $1  }
0x1b: {  	_ =	sdelay $0x3  }
0x1c: {  	_ =	swait.ge [sflag:s6], $0x20;
	s14 =	sshll.u32 s12, $0x5;
	s16 =	simm.s32 $0x0  }
0x1d: {  	p0 =	por $0x1, $0x1;
	[sflag:s6] =	ssyncset.done $0x0;
	s15 =	sand.u32 $0x20, s14  }
0x1e: {  	[sflag:s6] =	ssyncadd.s32 $0xFFFFFFE0;
	(ifvalue) =	ssetifvalue $0x7FFFFFFF;
	s14 =	sor.u32 $0x40, s15  }
.LBB2_3:
0x1f: {  	s17 =	sadd.s32 s16, s15  }
0x20: {  	v0 =	vld.msk [tilespmem:s17+$0x0 ss:$0x1], $0xffff;
	_ =	sdelay $0x4  }
0x21: {  	v1 =	vshrl.u32 v0, $0xB;
	v2 =	vshll.u32 v0, $0x7  }
0x22: {  	vm1 =	veq.s32 v0, $0x80000000;
	v61 =	vand.u32 $0x7, v1;
	v62 =	vand.u32 $0x3FF80, v2  }
0x23: {  	v0 =	vsel vm1, $0xFFFFFFFF, v61;
	v1 =	vsel vm1, $0xFFFFFF80, v62  }
0x24: {  	v63 =	vand.u32 $0xFFFFFC00, v1;
	v3 =	vand.u32 $0xFFFFFC00, v0  }
0x25: {  	v1 =	vand.u32 $0x380, v1;
	v2 =	vadd.s32 v3, v63  }
0x26: {  	v0 =	vand.u32 $0x7F, v0;
	v1 =	vor.u32 v1, v2  }
0x27: {  	p1 =	por p0, p0;
	v0 =	vor.u32 v0, v1  }
.Ltmp3:
0x28: {  	_ = 	snop;
	(pc) =	sbr.rel @p1 .LBB2_3-.Ltmp3, $4  }
0x29: {  	_ = 	snop  }
0x2a: {  	s31 =	sadd.s32 s16, s14  }
0x2b: {  	s16 =	simm.s32 $0x10;
	p0 =	por $0x0, $0x0;
	(ifvalue) =	ssetifvalue $0x7FFFFFFF  }
0x2c: {  	[tilespmem:s31], [sflag:$0x1] =	stream.indirect_vreg.gather [hbm4b:s2+s10], $0x1, v0, vm0, $0x4038;
	[tilespmem:$0x80] =	vst v63  }
.Ltmp4:
0x2d: {  	(pc) =	sbr.rel .LBB2_5-.Ltmp4, $4  }
0x2e: {  	_ =	swait.ge [sflag:s5], $0x20  }
0x2f: {  	s15 =	sshrl.u32 s13, $0x3;
	[sflag:s5] =	ssyncset.done $0x0  }
0x30: {  	s31 =	sand.u32 $0x7, s13;
	s15 =	sadd.s32 s8, s15;
	[sflag:s5] =	ssyncadd.s32 $0xFFFFFFE0  }
0x31: {  	[hbm4b:s15+s31] =	stream.linear.scatter [tilespmem:s14], [sflag:$0x3], $0x20, $0x38;
	[tilespmem:$0x80] =	vst v63  }
.LBB2_6:
0x32: {  	_ =	sfence.sel $0x180000  }
0x33: {  	s2 =	simm.s32 $0x2;
	[bflag:$0x0] =	sbarrier.arrive $0xFFFF  }
0x34: {  	s30 =	simm.s32 $0x3;
	[sflag:s2] =	ssyncpa.u1 $0x1  }
0x35: {  	s31 =	simm.s32 $0x1;
	[sflag:s30] =	ssyncpa.u1 $0x1  }
0x36: {  	[sflag:s31] =	ssyncpa.u1 $0x1  }
0x37: {  	p0 =	sne.s32 s0, $0x0;
	_ =	strace $0x9000004A  }
0x38: {  	s0 =	sadd.s32 @!p0 $0x100000, s1;
	[bflag:$0x2] =	sbarrier.arrive $0xFFFF  }
0x39: {  	[sflag:s0] =	ssyncadd.tile.s32 @!p0 $0x1;
	_ =	shalt  }
.Lfunc_end2:
_tile_overlayer_lowered:
.L_overlay_start_2:
0x3a: {  	(tag) =	ssettag $0x2  }
0x3b: {  	s0 =	rddreg [dreg:$0x0];
	s2 =	stileid.u32  }
0x3c: {  	s1 =	rddreg [dreg:$0x1];
	p0 =	sne.s32 s2, $0x0  }
0x3d: {  	s3 =	rddreg [dreg:$0x2];
	[bflag:$0x3] =	sbarrier.arrive $0xFFFF;
	s2 =	simm.s32 @!p0 $0x1C01  }
0x3e: {  	[timem:s3], [sflag:s2] =	dma.local @!p0 [hbm:s0], s1  }
0x3f: {  	s0 =	simm.s32 @!p0 $0x1  }
0x40: {  	_ =	swait.ge @!p0 [sflag:s0], s1  }
0x41: {  	s1 =	ssub.s32 @!p0 $0x0, s1;
	[sflag:s0] =	ssyncset.done @!p0 $0x0  }
0x42: {  	[sflag:s0] =	ssyncadd.s32 @!p0 s1  }
0x43: {  	[bflag:$0x3] =	sbarrier.arrive $0xFFFF  }
0x44: {  	_ =	shalt  }

// kernel: sparse-core-data-format-call.1.cloned.1.call-start
scs
called_computation.1_lowered:
.L_overlay_start_0:
0x0: {  	s2 =	sld [smem:$0x3FD9]  }
0x1: {  	s3 =	sld [smem:$0x3FFE];
	_ =	sdelay $0x1  }
0x2: {  	s1 =	srdreg.scid  }
0x3: {  	s0 =	sand.u32 $0x1, s1  }
0x4: {  	s18 =	sshll.u32 s0, $0xA;
	s2 =	sadd.s32 s3, s2  }
0x5: {  	s2 =	sadd.s32 s2, s18  }
0x6: {  	[smem:$0x3FC4] =	sst s2  }
0x7: {  	_ = 	snop  }
0x8: {  	(tm) =	ssettm $0x1  }
0x9: {  	s19 =	sld [smem:$0x3FFB];
	_ =	sdelay $0x3  }
0xa: {  	_ =	strace s19  }
0xb: {  	s2 =	sld [smem:$0x3FFC];
	_ =	sdelay $0x3  }
0xc: {  	_ =	strace s2  }
0xd: {  	s2 =	sld [smem:$0x3FFD];
	_ =	sdelay $0x3  }
0xe: {  	_ =	strace s2  }
0xf: {  	_ =	strace $0x8FFFFFFF  }
0x10: {  	s20 =	sld [smem:$0x3FDB];
	_ =	sdelay $0x1  }
0x11: {  	s21 =	simm.s32 $_scs_section_size  }
0x12: {  	s4 =	simm.s32 $_size__tile_overlayer_lowered;
	s5 =	simm.s32 $_tile_overlayer_lowered  }
0x13: {  	s6 =	simm.s32 $0x1BFF;
	s22 =	sshll.u32 s5, $0x1;
	s3 =	sadd.s32 s21, s20  }
0x14: {  	s23 =	simm.s32 $0x0;
	s4 =	sshll.u32 s4, $0x1;
	s5 =	sadd.s32 s22, s3  }
0x15: {  	[timem:s23], [sflag:s6] =	dma.local [hbm:s5], s4  }
0x16: {  	_ =	swait.ge [sflag:s6], s4  }
0x17: {  	s4 =	ssub.s32 $0x0, s4;
	[sflag:s6] =	ssyncset.done $0x0  }
0x18: {  	[sflag:s6] =	ssyncadd.s32 s4;
	_ =	sdelay $0x1  }
0x19: {  	s24 =	simm.s32 $0x1B8B  }
0x1a: {  	_ =	swait.ge [sflag:s24], $0x1  }
0x1b: {  	[sflag:s24] =	ssyncset.done $0x0  }
0x1c: {  	[sflag:s24] =	ssyncadd.s32 $0xFFFFFFFF  }
0x1d: {  	s4 =	sld [smem:$0x0]  }
0x1e: {  	s5 =	sand.u32 $0xFFFFFFFE, s1  }
0x1f: {  	p0 =	sne.s32 s1, s5  }
0x20: {  	s5 =	sshll.u32 @p0 s5, $0xE  }
0x21: {  	s5 =	sadd.s32 @p0 $0x11B8D, s5;
	s6 =	sshll.u32 @p0 s4, $0x11  }
0x22: {  	s5 =	sor.u32 @p0 s6, s5  }
0x23: {  	[sflag:s5] =	ssyncadd.remote.s32 @p0 $0x1;
	_ =	sdelay $0x1  }
0x24: {  	s5 =	simm.s32 @p0 $0x1B8D  }
0x25: {  	_ =	swait.eq @p0 [sflag:s5], $0x1  }
0x26: {  	[sflag:s5] =	ssyncadd.s32 @p0 $0xFFFFFFFF  }
0x27: {  	s6 =	sshll.u32 @!p0 s1, $0xE  }
0x28: {  	s6 =	sor.u32 @!p0 $0x4000, s6;
	s5 =	simm.s32 @!p0 $0x1B8D  }
0x29: {  	s4 =	sshll.u32 @!p0 s4, $0x11;
	s6 =	sadd.s32 @!p0 $0x11B8D, s6;
	_ =	swait.eq @!p0 [sflag:s5], $0x1  }
0x2a: {  	s4 =	sor.u32 @!p0 s4, s6;
	[sflag:s5] =	ssyncadd.s32 @!p0 $0xFFFFFFFF  }
0x2b: {  	s26 =	simm.s32 $0x1B8E;
	s25 =	sld [smem:$0x3FFE];
	[sflag:s4] =	ssyncadd.remote.s32 @!p0 $0x1  }
0x2c: {  	s27 =	simm.s32 $execute0_lowered;
	[smem:$0x3FD2] =	sst s26  }
0x2d: {  	s5 =	sshll.u32 s27, $0x1;
	_ =	strace $0x8000004C;
	[dreg:$0x1] =	wrdreg $0xFFFFFFFF  }
0x2e: {  	s28 =	simm.s32 $_size_execute0_lowered;
	s3 =	sadd.s32 s3, s5;
	[dreg:$0x0] =	wrdreg $0x0  }
0x2f: {  	s5 =	sshll.u32 s28, $0x1;
	[dreg:$0x2] =	wrdreg s3  }
0x30: {  	[dreg:$0x3] =	wrdreg s5  }
0x31: {  	[dreg:$0x4] =	wrdreg $0xC0  }
0x32: {  	_ =	task [dreg:s23], $0x5FFFF  }
0x33: {  	[dreg:$0x1] =	wrdreg $0xFFFFFFFF  }
0x34: {  	[dreg:$0x0] =	wrdreg $0x60  }
0x35: {  	[dreg:$0x2] =	wrdreg s25  }
0x36: {  	[dreg:$0x3] =	wrdreg $0xA  }
0x37: {  	_ =	task.clear_ibuf [dreg:s23], $0x4FFFF;
	_ =	strace $0x9000004C  }
0x38: {  	s29 =	simm.s32 $0xA;
	_ =	strace $0x8000004E  }
0x39: {  	_ =	swait.ge [sflag:s29], $0x1  }
0x3a: {  	[sflag:s29] =	ssyncadd.s32 $0xFFFFFFFF  }
0x3b: {  	_ =	strace $0x9000004E  }
0x3c: {  	_ =	sfence  }
0x3d: {  	s30 =	sld [smem:$0x0];
	_ =	sdelay $0x2  }
0x3e: {  	s31 =	sshll.u32 s1, $0xD;
	s1 =	sshrl.u32 s1, $0x2  }
0x3f: {  	s4 =	sand.u32 $0x4000, s31;
	s1 =	sadd.s32 s1, s30  }
0x40: {  	s0 =	sor.u32 s4, s0;
	s1 =	sshll.u32 s1, $0x11  }
0x41: {  	s0 =	sor.u32 s1, s0  }
0x42: {  	s0 =	sadd.s32 $0x8F2B, s0  }
0x43: {  	[sflag:s0] =	ssyncadd.remote.s32 $0x1  }
0x44: {  	_ =	sfence.sel $0xFFFF  }
0x45: {  	[dreg:$0x0] =	wrdreg $0xFFFFFFFF;
	(pc) =	sbr.abs _section_cstart, $3  }
0x46: {  	[dreg:$0x1] =	wrdreg $0xFFFFFFFF  }
0x47: {  	_ =	task.clear_ibuf [dreg:s23], $0x2FFFF;
	_ =	strace $0x9FFFFFFF  }
0x48: {  	(tm) =	ssettm $0x7FFFFFFF  }
0x49: {  	_ =	shalt  }
tec
execute0_lowered:
.L_overlay_start_1:
0x0: {  	(tag) =	ssettag $0x1  }
0x1: {  	s0 =	srdreg.scid  }
0x2: {  	s5 =	rddreg [dreg:$0x0];
	s7 =	simm.s32 $0x1;
	s8 =	simm.s32 $0x2  }
0x3: {  	s14 =	simm.s32 $0x0;
	s9 =	simm.s32 $0x0;
	s1 =	sshll.u32 s0, $0x4  }
0x4: {  	s15 =	simm.s32 $0x0;
	s0 =	stileid.u32;
	s1 =	sand.u32 $0x10, s1  }
0x5: {  	s16 =	simm.s32 $0x0;
	s10 =	simm.s32 $0x0;
	s1 =	sor.u32 s0, s1  }
0x6: {  	s11 =	simm.s32 $0x0;
	s13 =	simm.s32 $0x0;
	s2 =	sshll.u32 s1, $0x3  }
0x7: {  	s3 =	sadd.s32 $0x21400, s5;
	s5 =	sadd.s32 $0x321C00, s5;
	s6 =	ssub.s32 $0x1800, s2  }
.Ltmp0:
0x8: {  	s1 =	rddreg [dreg:$0x1];
	s4 =	sand.u32 $0xF8, s6;
	(pc) =	sbr.rel .LBB1_1-.Ltmp0, $4  }
0x9: {  	_ =	strace $0x8000004D;
	p0 =	sne.s32 s4, $0x0;
	s4 =	simm.s32 $0x1  }
0xa: {  	s6 =	sshrl.u32 s6, $0x8;
	s7 =	simm.s32 @!p0 $0x0;
	[sflag:s4] =	ssyncpa.u1 $0x0  }
0xb: {  	s12 =	smov.u32 s2;
	s7 =	sadd.s32 s7, s6;
	[sflag:s8] =	ssyncpa.u1 $0x0  }
0xc: {  	s8 =	simm.s32 $0x300000;
	s6 =	sshll.u32 s7, $0x1;
	s7 =	sshllo.u32 s7, $0x1  }
.LBB1_9:
0xd: {  	s17 =	sadd.s32 $0x200, s10  }
0xe: {  	s14 =	sadd.s32 $0x8, s11;
	s18 =	smov.u32 s11;
	p1 =	sgt.s32 s17, $0x3FF  }
0xf: {  	s18 =	smov.u32 @p1 s14  }
0x10: {  	s20 =	smov.u32 s12;
	s14 =	sadd.s32 $0x100, s12;
	p2 =	sgt.s32 s18, $0x7  }
0x11: {  	s20 =	smov.u32 @p2 s14  }
0x12: {  	s17 =	simm.s32 @p1 $0x0;
	p1 =	sgt.s32 s20, $0x17FF  }
0x13: {  	p0 =	slt.u32 s13, $0x2;
	s20 =	smov.u32 @p1 s2;
	p1 =	sne.s32 s13, s7  }
.Ltmp1:
0x14: {  	s19 =	simm.s32 @!p0 $0x2;
	(pc) =	sbr.rel @!p1 .LBB1_10-.Ltmp1, $4  }
0x15: {  	s15 =	smov.u32 s11;
	s16 =	smov.u32 s12;
	_ =	swait.ge @!p0 [sflag:s19], $0x4000  }
0x16: {  	s9 =	sadd.s32 $0x8000, s9;
	[sflag:s19] =	ssyncset.done @!p0 $0x0;
	s18 =	simm.s32 @p2 $0x0  }
0x17: {  	s14 =	smov.u32 s10;
	[sflag:s19] =	ssyncadd.s32 @!p0 $0xFFFFC000;
	s10 =	smov.u32 s17  }
0x18: {  	s11 =	smov.u32 s18;
	s13 =	sadd.s32 $0x1, s13;
	s12 =	smov.u32 s20  }
.LBB1_1:
0x19: {  	p0 =	sge.u32 s13, s6  }
0x1a: {  	s17 =	sshll.u32 @!p0 s11, $0x7;
	s18 =	sshll.u32 @!p0 s10, $0x1  }
0x1b: {  	s31 =	sadd.s32 $0xFFFFFFFF, s13;
	s17 =	sand.u32 @!p0 $0x300, s17;
	s18 =	sand.u32 @!p0 $0xF0, s18  }
0x1c: {  	s19 =	sshrl.u32 @!p0 s10, $0x1;
	s17 =	sor.u32 @!p0 s17, s18;
	s18 =	sshll.u32 @!p0 s12, $0x9  }
0x1d: {  	s20 =	sxor.u32 @!p0 $0xFFFFFFFF, s13;
	s19 =	sand.u32 @!p0 $0x1C0, s19;
	s18 =	sadd.s32 @!p0 s3, s18  }
0x1e: {  	s17 =	sshrl.u32 @!p0 s17, $0x4;
	s18 =	sadd.s32 @!p0 s19, s18;
	s19 =	sand.u32 @!p0 $0x7, s10  }
0x1f: {  	s17 =	sadd.s32 @!p0 s17, s18;
	s18 =	sshll.u32 @!p0 s20, $0xE;
	s19 =	sshll.u32 @!p0 s19, $0x12  }
0x20: {  	s20 =	simm.s32 @!p0 $0x1000;
	s18 =	sand.u32 @!p0 $0x4000, s18;
	s19 =	sor.u32 @!p0 $0x800, s19  }
0x21: {  	[tilespmem:s18], [sflag:$0x1] =	stream.strided.gather @!p0 [hbm4b:s17+s19], $0x4000, s20, s19, $0x38;
	[tilespmem:$0x10000] =	vst v63  }
0x22: {  	p0 =	sge.u32 s31, s6  }
.Ltmp2:
0x23: {  	_ = 	snop;
	(pc) =	sbr.rel @p0 .LBB1_9-.Ltmp2, $1  }
0x24: {  	_ =	sdelay $0x3  }
0x25: {  	s17 =	sshll.u32 s9, $0x1;
	_ =	swait.ge [sflag:s4], $0x4000  }
0x26: {  	s19 =	sshll.u32 s13, $0xE;
	s21 =	simm.s32 $0x0;
	p0 =	por $0x0, $0x0  }
0x27: {  	s17 =	sand.u32 $0x10000, s17;
	[sflag:s4] =	ssyncset.done $0x0;
	s19 =	sand.u32 $0x4000, s19  }
0x28: {  	s18 =	sshrl.u32 s17, $0x2;
	s20 =	sshrl.u32 s17, $0x2;
	[sflag:s4] =	ssyncadd.s32 $0xFFFFC000  }
0x29: {  	s17 =	sor.u32 $0x8000, s19;
	s19 =	sadd.s32 $0x8870, s20;
	s20 =	simm.s32 $0x0  }
.LBB1_3:
0x2a: {  	s22 =	simm.s32 $0x1  }
0x2b: {  	s23 =	sshll.u32 s20, $0x1;
	s22 =	simm.s32 @!p0 $0x0  }
0x2c: {  	s23 =	sand.u32 $0xFFFFFC00, s23;
	s22 =	sshll.u32 s22, $0x9  }
0x2d: {  	s22 =	sor.u32 s22, s23  }
0x2e: {  	p1 =	por $0x0, $0x0;
	s22 =	sshrl.u32 s22, $0x2  }
0x2f: {  	s24 =	simm.s32 $0x0;
	s23 =	simm.s32 $0x0;
	s22 =	sadd.s32 s22, s19  }
.LBB1_4:
0x30: {  	s25 =	simm.s32 $0x1  }
0x31: {  	s26 =	sshll.u32 s23, $0x2;
	s25 =	simm.s32 @!p1 $0x0  }
0x32: {  	s26 =	sand.u32 $0xFFFFFC00, s26;
	s25 =	sshll.u32 s25, $0x9  }
0x33: {  	s25 =	sor.u32 s25, s26  }
0x34: {  	s25 =	sshrl.u32 s25, $0x2  }
0x35: {  	s25 =	sadd.s32 s25, s18  }
0x36: {  	v1 =	vmov s25;
	_ =	sdelay $0x3  }
0x37: {  	s25 =	simm.s32 $0x0  }
0x38: {  	v2 =	vld.idx.msk [tilespmem:v1+s25+$0x70 ss:$0x1], $0xffff  }
0x39: {  	v3 =	vld.idx.msk [tilespmem:v1+s25+$0x870 ss:$0x1], $0xffff  }
0x3a: {  	v4 =	vld.idx.msk [tilespmem:v1+s25+$0x0 ss:$0x1], $0xffff  }
0x3b: {  	v5 =	vld.idx.msk [tilespmem:v1+s25+$0x800 ss:$0x1], $0xffff  }
0x3c: {  	v6 =	vld.idx.msk [tilespmem:v1+s25+$0x10 ss:$0x1], $0xffff  }
0x3d: {  	v7 =	vld.idx.msk [tilespmem:v1+s25+$0x810 ss:$0x1], $0xffff;
	_ =	sdelay $0x1  }
0x3e: {  	v0 =	vmov s22;
	v9 =	vld.idx.msk [tilespmem:v1+s25+$0x20 ss:$0x1], $0xffff;
	v8 =	vunpack.i.l.s16.s32 v2  }
0x3f: {  	v12 =	vld.idx.msk [tilespmem:v1+s25+$0x820 ss:$0x1], $0xffff;
	v10 =	vunpack.i.l.s16.s32 v3;
	v2 =	vunpack.i.u.s16.s32 v2;
	v3 =	vunpack.i.u.s16.s32 v3  }
0x40: {  	v13 =	vld.idx.msk [tilespmem:v1+s25+$0x30 ss:$0x1], $0xffff;
	v11 =	vunpack.i.u.s16.s32 v4;
	v14 =	vunpack.i.u.s16.s32 v5;
	v5 =	vunpack.i.l.s16.s32 v5  }
0x41: {  	v15 =	vld.idx.msk [tilespmem:v1+s25+$0x830 ss:$0x1], $0xffff;
	v16 =	vunpack.i.u.s16.s32 v6;
	v17 =	vunpack.i.l.s16.s32 v6;
	v18 =	vunpack.i.u.s16.s32 v7  }
0x42: {  	v7 =	vunpack.i.l.s16.s32 v7;
	v6 =	vld.idx.msk [tilespmem:v1+s25+$0x850 ss:$0x1], $0xffff;
	v8 =	vpack.i.b32.b16 v10, v8;
	v10 =	vunpack.i.l.s16.s32 v4  }
0x43: {  	v3 =	vpack.i.b32.b16 v3, v2;
	v2 =	vld.idx.msk [tilespmem:v1+s25+$0x40 ss:$0x1], $0xffff;
	v7 =	vpack.i.b32.b16 v7, v17;
	[tilespmem:v0+s25+$0xFFFFF800 ss:$0x1] =	vst.idx.msk $0xffff, v8  }
0x44: {  	v4 =	vld.idx.msk [tilespmem:v1+s25+$0x840 ss:$0x1], $0xffff;
	v16 =	vpack.i.b32.b16 v18, v16;
	v5 =	vpack.i.b32.b16 v5, v10;
	[tilespmem:v0+s25+$0xFFFFF7A0 ss:$0x1] =	vst.idx.msk $0xffff, v7  }
0x45: {  	v8 =	vunpack.i.u.s16.s32 v9;
	v10 =	vunpack.i.l.s16.s32 v9;
	v9 =	vunpack.i.u.s16.s32 v13;
	[tilespmem:v0+s25+$0x0 ss:$0x1] =	vst.idx.msk $0xffff, v3;
	v3 =	vld.idx.msk [tilespmem:v1+s25+$0x50 ss:$0x1], $0xffff  }
0x46: {  	v13 =	vunpack.i.l.s16.s32 v13;
	v7 =	vld.idx.msk [tilespmem:v1+s25+$0x860 ss:$0x1], $0xffff;
	[tilespmem:v0+s25+$0xFFFFF790 ss:$0x1] =	vst.idx.msk $0xffff, v5;
	v5 =	vpack.i.b32.b16 v14, v11;
	v11 =	vunpack.i.u.s16.s32 v12  }
0x47: {  	s27 =	simm.s32 $0x800;
	s26 =	simm.s32 $0x0;
	v14 =	vunpack.i.l.s16.s32 v12;
	v12 =	vunpack.i.u.s16.s32 v15;
	v15 =	vunpack.i.l.s16.s32 v15;
	[tilespmem:v0+s25+$0xFFFFFF90 ss:$0x1] =	vst.idx.msk $0xffff, v5;
	v5 =	vld.idx.msk [tilespmem:v1+s25+$0x60 ss:$0x1], $0xffff  }
.LBB1_5:
0x48: {  	s28 =	sshra.s32 s27, $0x2;
	[tilespmem:v0+s25+$0xFFFFFFA0 ss:$0x1] =	vst.idx.msk $0xffff, v16;
	v10 =	vpack.i.b32.b16 v14, v10;
	v14 =	vunpack.i.u.s16.s32 v2;
	v2 =	vunpack.i.l.s16.s32 v2  }
0x49: {  	v8 =	vpack.i.b32.b16 v11, v8;
	v16 =	vld.idx.msk [tilespmem:v1+s28+$0x70 ss:$0x1], $0xffff;
	[tilespmem:v0+s25+$0xFFFFF7B0 ss:$0x1] =	vst.idx.msk $0xffff, v10;
	v10 =	vunpack.i.u.s16.s32 v4;
	v4 =	vunpack.i.l.s16.s32 v4  }
0x4a: {  	s26 =	sadd.s32 $0x80, s26;
	v11 =	vld.idx.msk [tilespmem:v1+s28+$0x870 ss:$0x1], $0xffff;
	[tilespmem:v0+s25+$0xFFFFFFB0 ss:$0x1] =	vst.idx.msk $0xffff, v8;
	v8 =	vpack.i.b32.b16 v15, v13;
	v13 =	vunpack.i.u.s16.s32 v3;
	v3 =	vunpack.i.l.s16.s32 v3  }
0x4b: {  	p2 =	slt.u32 s26, $0x180;
	v15 =	vld.idx.msk [tilespmem:v1+s28+$0x0 ss:$0x1], $0xffff;
	[tilespmem:v0+s25+$0xFFFFF7C0 ss:$0x1] =	vst.idx.msk $0xffff, v8;
	v8 =	vpack.i.b32.b16 v12, v9;
	v9 =	vunpack.i.u.s16.s32 v6;
	v6 =	vunpack.i.l.s16.s32 v6  }
0x4c: {  	v2 =	vpack.i.b32.b16 v4, v2;
	v4 =	vunpack.i.u.s16.s32 v5;
	v5 =	vunpack.i.l.s16.s32 v5;
	v12 =	vld.idx.msk [tilespmem:v1+s28+$0x800 ss:$0x1], $0xffff;
	[tilespmem:v0+s25+$0xFFFFFFC0 ss:$0x1] =	vst.idx.msk $0xffff, v8  }
0x4d: {  	v8 =	vld.idx.msk [tilespmem:v1+s28+$0x10 ss:$0x1], $0xffff;
	[tilespmem:v0+s25+$0xFFFFF7D0 ss:$0x1] =	vst.idx.msk $0xffff, v2;
	v2 =	vpack.i.b32.b16 v10, v14;
	v10 =	vunpack.i.u.s16.s32 v7;
	v7 =	vunpack.i.l.s16.s32 v7  }
0x4e: {  	v3 =	vpack.i.b32.b16 v6, v3;
	v6 =	vpack.i.b32.b16 v9, v13;
	v14 =	vld.idx.msk [tilespmem:v1+s28+$0x810 ss:$0x1], $0xffff;
	v5 =	vpack.i.b32.b16 v7, v5  }
0x4f: {  	v9 =	vpack.i.b32.b16 v10, v4;
	v7 =	vld.idx.msk [tilespmem:v1+s28+$0x20 ss:$0x1], $0xffff;
	[tilespmem:v0+s25+$0xFFFFFFD0 ss:$0x1] =	vst.idx.msk $0xffff, v2  }
0x50: {  	v2 =	vunpack.i.l.s16.s32 v16;
	v4 =	vunpack.i.l.s16.s32 v11;
	v13 =	vld.idx.msk [tilespmem:v1+s28+$0x820 ss:$0x1], $0xffff;
	[tilespmem:v0+s25+$0xFFFFF7E0 ss:$0x1] =	vst.idx.msk $0xffff, v3  }
0x51: {  	v10 =	vunpack.i.u.s16.s32 v11;
	v3 =	vunpack.i.u.s16.s32 v16;
	v2 =	vpack.i.b32.b16 v4, v2;
	v17 =	vld.idx.msk [tilespmem:v1+s28+$0x30 ss:$0x1], $0xffff;
	[tilespmem:v0+s25+$0xFFFFFFE0 ss:$0x1] =	vst.idx.msk $0xffff, v6  }
0x52: {  	v11 =	vunpack.i.l.s16.s32 v15;
	v6 =	vunpack.i.u.s16.s32 v15;
	v3 =	vpack.i.b32.b16 v10, v3;
	v15 =	vld.idx.msk [tilespmem:v1+s28+$0x830 ss:$0x1], $0xffff;
	[tilespmem:v0+s28+$0xFFFFF800 ss:$0x1] =	vst.idx.msk $0xffff, v2  }
0x53: {  	v16 =	vunpack.i.u.s16.s32 v12;
	v10 =	vunpack.i.l.s16.s32 v12;
	v12 =	vunpack.i.u.s16.s32 v8;
	v2 =	vld.idx.msk [tilespmem:v1+s28+$0x40 ss:$0x1], $0xffff;
	[tilespmem:v0+s28+$0x0 ss:$0x1] =	vst.idx.msk $0xffff, v3  }
.Ltmp3:
0x54: {  	v18 =	vunpack.i.l.s16.s32 v8;
	v19 =	vunpack.i.u.s16.s32 v14;
	v20 =	vunpack.i.l.s16.s32 v14;
	v4 =	vld.idx.msk [tilespmem:v1+s28+$0x840 ss:$0x1], $0xffff;
	[tilespmem:v0+s25+$0xFFFFF7F0 ss:$0x1] =	vst.idx.msk $0xffff, v5;
	(pc) =	sbr.rel @p2 .LBB1_5-.Ltmp3, $4  }
0x55: {  	v5 =	vpack.i.b32.b16 v10, v11;
	v8 =	vunpack.i.u.s16.s32 v7;
	v10 =	vunpack.i.l.s16.s32 v7;
	v3 =	vld.idx.msk [tilespmem:v1+s28+$0x50 ss:$0x1], $0xffff;
	[tilespmem:v0+s25+$0xFFFFFFF0 ss:$0x1] =	vst.idx.msk $0xffff, v9;
	s25 =	smov.u32 s28  }
0x56: {  	v11 =	vunpack.i.u.s16.s32 v13;
	v14 =	vunpack.i.l.s16.s32 v13;
	[tilespmem:v0+s25+$0xFFFFF790 ss:$0x1] =	vst.idx.msk $0xffff, v5;
	v5 =	vpack.i.b32.b16 v16, v6;
	v6 =	vld.idx.msk [tilespmem:v1+s25+$0x850 ss:$0x1], $0xffff  }
0x57: {  	v7 =	vpack.i.b32.b16 v20, v18;
	v9 =	vunpack.i.u.s16.s32 v17;
	v13 =	vunpack.i.l.s16.s32 v17;
	[tilespmem:v0+s25+$0xFFFFFF90 ss:$0x1] =	vst.idx.msk $0xffff, v5;
	v5 =	vld.idx.msk [tilespmem:v1+s25+$0x60 ss:$0x1], $0xffff  }
0x58: {  	s27 =	sadd.s32 $0x800, s27;
	v16 =	vpack.i.b32.b16 v19, v12;
	v12 =	vunpack.i.u.s16.s32 v15;
	v15 =	vunpack.i.l.s16.s32 v15;
	[tilespmem:v0+s25+$0xFFFFF7A0 ss:$0x1] =	vst.idx.msk $0xffff, v7;
	v7 =	vld.idx.msk [tilespmem:v1+s25+$0x860 ss:$0x1], $0xffff  }
0x59: {  	_ =	sdelay $0x3  }
0x5a: {  	[tilespmem:v0+s25+$0xFFFFFFA0 ss:$0x1] =	vst.idx.msk $0xffff, v16;
	v1 =	vpack.i.b32.b16 v14, v10  }
0x5b: {  	v46 =	vpack.i.b32.b16 v15, v13;
	[tilespmem:v0+s25+$0xFFFFF7B0 ss:$0x1] =	vst.idx.msk $0xffff, v1  }
0x5c: {  	v45 =	vpack.i.b32.b16 v11, v8;
	[tilespmem:v0+s25+$0xFFFFF7C0 ss:$0x1] =	vst.idx.msk $0xffff, v46  }
0x5d: {  	v47 =	vunpack.i.l.s16.s32 v2;
	v48 =	vunpack.i.l.s16.s32 v4;
	v49 =	vpack.i.b32.b16 v12, v9;
	[tilespmem:v0+s25+$0xFFFFFFB0 ss:$0x1] =	vst.idx.msk $0xffff, v45  }
0x5e: {  	v50 =	vunpack.i.u.s16.s32 v2;
	v51 =	vunpack.i.u.s16.s32 v4;
	v52 =	vpack.i.b32.b16 v48, v47;
	[tilespmem:v0+s25+$0xFFFFFFC0 ss:$0x1] =	vst.idx.msk $0xffff, v49  }
0x5f: {  	p2 =	slt.u32 s24, $0x6;
	v53 =	vunpack.i.l.s16.s32 v3;
	v55 =	vpack.i.b32.b16 v51, v50;
	v54 =	vunpack.i.l.s16.s32 v6;
	[tilespmem:v0+s25+$0xFFFFF7D0 ss:$0x1] =	vst.idx.msk $0xffff, v52  }
.Ltmp4:
0x60: {  	v56 =	vunpack.i.u.s16.s32 v3;
	v57 =	vunpack.i.u.s16.s32 v6;
	v58 =	vpack.i.b32.b16 v54, v53;
	[tilespmem:v0+s25+$0xFFFFFFD0 ss:$0x1] =	vst.idx.msk $0xffff, v55;
	(pc) =	sbr.rel @p2 .LBB1_4-.Ltmp4, $4  }
0x61: {  	v59 =	vunpack.i.l.s16.s32 v5;
	v2 =	vpack.i.b32.b16 v57, v56;
	v60 =	vunpack.i.l.s16.s32 v7;
	[tilespmem:v0+s25+$0xFFFFF7E0 ss:$0x1] =	vst.idx.msk $0xffff, v58  }
0x62: {  	v61 =	vunpack.i.u.s16.s32 v5;
	v62 =	vunpack.i.u.s16.s32 v7;
	v1 =	vpack.i.b32.b16 v60, v59;
	[tilespmem:v0+s25+$0xFFFFFFE0 ss:$0x1] =	vst.idx.msk $0xffff, v2  }
0x63: {  	s24 =	sadd.s32 $0x2, s24;
	v63 =	vpack.i.b32.b16 v62, v61;
	[tilespmem:v0+s25+$0xFFFFF7F0 ss:$0x1] =	vst.idx.msk $0xffff, v1  }
0x64: {  	s22 =	sadd.s32 $0x1000, s22;
	s23 =	sadd.s32 $0x80, s23;
	p1 =	por !p1, !p1;
	[tilespmem:v0+s25+$0xFFFFFFF0 ss:$0x1] =	vst.idx.msk $0xffff, v63  }
0x65: {  	p1 =	slt.u32 s21, $0x6  }
.Ltmp5:
0x66: {  	_ = 	snop;
	(pc) =	sbr.rel @p1 .LBB1_3-.Ltmp5, $3  }
0x67: {  	_ =	sdelay $0x1  }
0x68: {  	s22 =	sadd.s32 $0x2, s21;
	s20 =	sadd.s32 $0x100, s20  }
0x69: {  	p0 =	por !p0, !p0;
	s18 =	sadd.s32 $0x1000, s18;
	s21 =	smov.u32 s22  }
0x6a: {  	s18 =	sshll.u32 s16, $0xA  }
0x6b: {  	s19 =	sshll.u32 s14, $0x3;
	s18 =	sand.u32 $0xFFFFE000, s18  }
0x6c: {  	s18 =	sadd.s32 s18, s19  }
0x6d: {  	s18 =	sshrl.u32 s18, $0xA  }
0x6e: {  	s29 =	smulhi.u32 $0x2AAAAB, s18  }
0x6f: {  	s30 =	sshll.u32 s16, $0x7  }
0x70: {  	s20 =	sshll.u32 s14, $0x1;
	s15 =	smul.u32 $0x60000, s15;
	s19 =	sshrl.u32 s29, $0x2  }
0x71: {  	s16 =	sand.u32 $0x300, s30;
	s20 =	sand.u32 $0xF0, s20;
	s19 =	smul.u32 $0x1800, s19  }
.Ltmp6:
0x72: {  	s31 =	sand.u32 $0x7, s14;
	s16 =	sor.u32 s16, s20;
	(pc) =	sbr.rel .LBB1_9-.Ltmp6, $4  }
0x73: {  	s15 =	sadd.s32 s5, s15;
	s16 =	sshrl.u32 s16, $0x4;
	s18 =	ssub.s32 s18, s19  }
0x74: {  	s14 =	sshll.u32 s31, $0x12;
	s15 =	sadd.s32 s16, s15;
	s18 =	sshll.u32 s18, $0x6  }
0x75: {  	s14 =	sor.u32 $0x800, s14;
	s15 =	sadd.s32 s18, s15  }
0x76: {  	[hbm4b:s15+s14] =	stream.strided.scatter [tilespmem:s17], [sflag:$0x2], $0x4000, s8, s14, $0x38;
	[tilespmem:$0x10000] =	vst v63  }
.LBB1_10:
0x77: {  	_ =	sfence.sel $0x180000  }
0x78: {  	s2 =	simm.s32 $0x1;
	[bflag:$0x0] =	sbarrier.arrive $0xFFFF  }
0x79: {  	s31 =	simm.s32 $0x2;
	[sflag:s2] =	ssyncpa.u1 $0x1  }
0x7a: {  	[sflag:s31] =	ssyncpa.u1 $0x1  }
0x7b: {  	p0 =	sne.s32 s0, $0x0;
	_ =	strace $0x9000004D  }
0x7c: {  	s0 =	sadd.s32 @!p0 $0x100000, s1;
	[bflag:$0x2] =	sbarrier.arrive $0xFFFF  }
0x7d: {  	[sflag:s0] =	ssyncadd.tile.s32 @!p0 $0x1;
	_ =	shalt  }
.Lfunc_end1:
_tile_overlayer_lowered:
.L_overlay_start_2:
0x7e: {  	(tag) =	ssettag $0x2  }
0x7f: {  	s0 =	rddreg [dreg:$0x0];
	s2 =	stileid.u32  }
0x80: {  	s1 =	rddreg [dreg:$0x1];
	p0 =	sne.s32 s2, $0x0  }
0x81: {  	s3 =	rddreg [dreg:$0x2];
	[bflag:$0x3] =	sbarrier.arrive $0xFFFF;
	s2 =	simm.s32 @!p0 $0x1C01  }
0x82: {  	[timem:s3], [sflag:s2] =	dma.local @!p0 [hbm:s0], s1  }
0x83: {  	s0 =	simm.s32 @!p0 $0x1  }
0x84: {  	_ =	swait.ge @!p0 [sflag:s0], s1  }
0x85: {  	s1 =	ssub.s32 @!p0 $0x0, s1;
	[sflag:s0] =	ssyncset.done @!p0 $0x0  }
0x86: {  	[sflag:s0] =	ssyncadd.s32 @!p0 s1  }
0x87: {  	[bflag:$0x3] =	sbarrier.arrive $0xFFFF  }
0x88: {  	_ =	shalt  }

// kernel: sparse-core-data-format-call.cloned.1.call-start
scs
called_computation_lowered:
.L_overlay_start_0:
0x0: {  	s2 =	sld [smem:$0x3FD9]  }
0x1: {  	s3 =	sld [smem:$0x3FFE];
	_ =	sdelay $0x1  }
0x2: {  	s1 =	srdreg.scid  }
0x3: {  	s0 =	sand.u32 $0x1, s1  }
0x4: {  	s18 =	sshll.u32 s0, $0xA;
	s2 =	sadd.s32 s3, s2  }
0x5: {  	s2 =	sadd.s32 s2, s18  }
0x6: {  	[smem:$0x3FC4] =	sst s2  }
0x7: {  	_ = 	snop  }
0x8: {  	(tm) =	ssettm $0x1  }
0x9: {  	s19 =	sld [smem:$0x3FFB];
	_ =	sdelay $0x3  }
0xa: {  	_ =	strace s19  }
0xb: {  	s2 =	sld [smem:$0x3FFC];
	_ =	sdelay $0x3  }
0xc: {  	_ =	strace s2  }
0xd: {  	s2 =	sld [smem:$0x3FFD];
	_ =	sdelay $0x3  }
0xe: {  	_ =	strace s2  }
0xf: {  	_ =	strace $0x8FFFFFFF  }
0x10: {  	s20 =	sld [smem:$0x3FDB];
	_ =	sdelay $0x1  }
0x11: {  	s21 =	simm.s32 $_scs_section_size  }
0x12: {  	s4 =	simm.s32 $_size__tile_overlayer_lowered;
	s5 =	simm.s32 $_tile_overlayer_lowered  }
0x13: {  	s6 =	simm.s32 $0x1BFF;
	s22 =	sshll.u32 s5, $0x1;
	s3 =	sadd.s32 s21, s20  }
0x14: {  	s23 =	simm.s32 $0x0;
	s4 =	sshll.u32 s4, $0x1;
	s5 =	sadd.s32 s22, s3  }
0x15: {  	[timem:s23], [sflag:s6] =	dma.local [hbm:s5], s4  }
0x16: {  	_ =	swait.ge [sflag:s6], s4  }
0x17: {  	s4 =	ssub.s32 $0x0, s4;
	[sflag:s6] =	ssyncset.done $0x0  }
0x18: {  	[sflag:s6] =	ssyncadd.s32 s4;
	_ =	sdelay $0x1  }
0x19: {  	s24 =	simm.s32 $0x1B8B  }
0x1a: {  	_ =	swait.ge [sflag:s24], $0x1  }
0x1b: {  	[sflag:s24] =	ssyncset.done $0x0  }
0x1c: {  	[sflag:s24] =	ssyncadd.s32 $0xFFFFFFFF  }
0x1d: {  	s4 =	sld [smem:$0x0]  }
0x1e: {  	s5 =	sand.u32 $0xFFFFFFFE, s1  }
0x1f: {  	p0 =	sne.s32 s1, s5  }
0x20: {  	s5 =	sshll.u32 @p0 s5, $0xE  }
0x21: {  	s5 =	sadd.s32 @p0 $0x11B8D, s5;
	s6 =	sshll.u32 @p0 s4, $0x11  }
0x22: {  	s5 =	sor.u32 @p0 s6, s5  }
0x23: {  	[sflag:s5] =	ssyncadd.remote.s32 @p0 $0x1;
	_ =	sdelay $0x1  }
0x24: {  	s5 =	simm.s32 @p0 $0x1B8D  }
0x25: {  	_ =	swait.eq @p0 [sflag:s5], $0x1  }
0x26: {  	[sflag:s5] =	ssyncadd.s32 @p0 $0xFFFFFFFF  }
0x27: {  	s6 =	sshll.u32 @!p0 s1, $0xE  }
0x28: {  	s6 =	sor.u32 @!p0 $0x4000, s6;
	s5 =	simm.s32 @!p0 $0x1B8D  }
0x29: {  	s4 =	sshll.u32 @!p0 s4, $0x11;
	s6 =	sadd.s32 @!p0 $0x11B8D, s6;
	_ =	swait.eq @!p0 [sflag:s5], $0x1  }
0x2a: {  	s4 =	sor.u32 @!p0 s4, s6;
	[sflag:s5] =	ssyncadd.s32 @!p0 $0xFFFFFFFF  }
0x2b: {  	s26 =	simm.s32 $0x1B8E;
	s25 =	sld [smem:$0x3FFE];
	[sflag:s4] =	ssyncadd.remote.s32 @!p0 $0x1  }
0x2c: {  	s27 =	simm.s32 $execute0_lowered;
	[smem:$0x3FD2] =	sst s26  }
0x2d: {  	s5 =	sshll.u32 s27, $0x1;
	_ =	strace $0x8000004F;
	[dreg:$0x1] =	wrdreg $0xFFFFFFFF  }
0x2e: {  	s28 =	simm.s32 $_size_execute0_lowered;
	s3 =	sadd.s32 s3, s5;
	[dreg:$0x0] =	wrdreg $0x0  }
0x2f: {  	s5 =	sshll.u32 s28, $0x1;
	[dreg:$0x2] =	wrdreg s3  }
0x30: {  	[dreg:$0x3] =	wrdreg s5  }
0x31: {  	[dreg:$0x4] =	wrdreg $0xC0  }
0x32: {  	_ =	task [dreg:s23], $0x5FFFF  }
0x33: {  	[dreg:$0x1] =	wrdreg $0xFFFFFFFF  }
0x34: {  	[dreg:$0x0] =	wrdreg $0x60  }
0x35: {  	[dreg:$0x2] =	wrdreg s25  }
0x36: {  	[dreg:$0x3] =	wrdreg $0x9  }
0x37: {  	_ =	task.clear_ibuf [dreg:s23], $0x4FFFF;
	_ =	strace $0x9000004F  }
0x38: {  	s29 =	simm.s32 $0x9;
	_ =	strace $0x80000051  }
0x39: {  	_ =	swait.ge [sflag:s29], $0x1  }
0x3a: {  	[sflag:s29] =	ssyncadd.s32 $0xFFFFFFFF  }
0x3b: {  	_ =	strace $0x90000051  }
0x3c: {  	_ =	sfence  }
0x3d: {  	s30 =	sld [smem:$0x0];
	_ =	sdelay $0x2  }
0x3e: {  	s31 =	sshll.u32 s1, $0xD;
	s1 =	sshrl.u32 s1, $0x2  }
0x3f: {  	s4 =	sand.u32 $0x4000, s31;
	s1 =	sadd.s32 s1, s30  }
0x40: {  	s0 =	sor.u32 s4, s0;
	s1 =	sshll.u32 s1, $0x11  }
0x41: {  	s0 =	sor.u32 s1, s0  }
0x42: {  	s0 =	sadd.s32 $0x8F2B, s0  }
0x43: {  	[sflag:s0] =	ssyncadd.remote.s32 $0x1  }
0x44: {  	_ =	sfence.sel $0xFFFF  }
0x45: {  	[dreg:$0x0] =	wrdreg $0xFFFFFFFF;
	(pc) =	sbr.abs _section_cstart, $3  }
0x46: {  	[dreg:$0x1] =	wrdreg $0xFFFFFFFF  }
0x47: {  	_ =	task.clear_ibuf [dreg:s23], $0x2FFFF;
	_ =	strace $0x9FFFFFFF  }
0x48: {  	(tm) =	ssettm $0x7FFFFFFF  }
0x49: {  	_ =	shalt  }
tec
execute0_lowered:
.L_overlay_start_1:
0x0: {  	(tag) =	ssettag $0x1  }
0x1: {  	s0 =	srdreg.scid  }
0x2: {  	s5 =	rddreg [dreg:$0x0];
	s7 =	simm.s32 $0x1;
	s1 =	sshll.u32 s0, $0x4  }
0x3: {  	s8 =	simm.s32 $0x2;
	s0 =	stileid.u32;
	s1 =	sand.u32 $0x10, s1  }
0x4: {  	s14 =	simm.s32 $0x0;
	s9 =	simm.s32 $0x0;
	s1 =	sor.u32 s0, s1  }
0x5: {  	s15 =	simm.s32 $0x0;
	s16 =	simm.s32 $0x0;
	s2 =	sshll.u32 s1, $0x3  }
0x6: {  	s10 =	simm.s32 $0x0;
	s11 =	simm.s32 $0x0;
	s6 =	ssub.s32 $0xC00, s2  }
0x7: {  	s13 =	simm.s32 $0x0;
	s3 =	sadd.s32 $0x21400, s5;
	s4 =	sand.u32 $0xF8, s6  }
.Ltmp0:
0x8: {  	s5 =	sadd.s32 $0x621C00, s5;
	p0 =	sne.s32 s4, $0x0;
	(pc) =	sbr.rel .LBB1_1-.Ltmp0, $4  }
0x9: {  	s1 =	rddreg [dreg:$0x1];
	s6 =	sshrl.u32 s6, $0x8;
	s7 =	simm.s32 @!p0 $0x0  }
0xa: {  	_ =	strace $0x80000050;
	s4 =	simm.s32 $0x1;
	s6 =	sadd.s32 s7, s6  }
0xb: {  	s12 =	smov.u32 s2;
	[sflag:s4] =	ssyncpa.u1 $0x0;
	s6 =	sshll.u32 s6, $0x2  }
0xc: {  	[sflag:s8] =	ssyncpa.u1 $0x0;
	s8 =	simm.s32 $0x300000;
	s7 =	sor.u32 $0x1, s6  }
.LBB1_9:
0xd: {  	s17 =	sadd.s32 $0x200, s10  }
0xe: {  	s14 =	sadd.s32 $0x8, s11;
	s18 =	smov.u32 s11;
	p1 =	sgt.s32 s17, $0x7FF  }
0xf: {  	s18 =	smov.u32 @p1 s14  }
0x10: {  	s20 =	smov.u32 s12;
	s14 =	sadd.s32 $0x100, s12;
	p2 =	sgt.s32 s18, $0x7  }
0x11: {  	s20 =	smov.u32 @p2 s14  }
0x12: {  	s17 =	simm.s32 @p1 $0x0;
	p1 =	sgt.s32 s20, $0xBFF  }
0x13: {  	p0 =	slt.u32 s13, $0x2;
	s20 =	smov.u32 @p1 s2;
	p1 =	sne.s32 s13, s7  }
.Ltmp1:
0x14: {  	s19 =	simm.s32 @!p0 $0x2;
	(pc) =	sbr.rel @!p1 .LBB1_10-.Ltmp1, $4  }
0x15: {  	s15 =	smov.u32 s11;
	s16 =	smov.u32 s12;
	_ =	swait.ge @!p0 [sflag:s19], $0x4000  }
0x16: {  	s9 =	sadd.s32 $0x8000, s9;
	[sflag:s19] =	ssyncset.done @!p0 $0x0;
	s18 =	simm.s32 @p2 $0x0  }
0x17: {  	s14 =	smov.u32 s10;
	[sflag:s19] =	ssyncadd.s32 @!p0 $0xFFFFC000;
	s10 =	smov.u32 s17  }
0x18: {  	s11 =	smov.u32 s18;
	s13 =	sadd.s32 $0x1, s13;
	s12 =	smov.u32 s20  }
.LBB1_1:
0x19: {  	p0 =	sge.u32 s13, s6  }
0x1a: {  	s17 =	sshll.u32 @!p0 s10, $0x3;
	s18 =	sshll.u32 @!p0 s11, $0x7  }
0x1b: {  	s19 =	sshll.u32 @!p0 s10, $0x1;
	s18 =	sand.u32 @!p0 $0x300, s18;
	s17 =	sand.u32 @!p0 $0x400, s17  }
0x1c: {  	s31 =	sadd.s32 $0xFFFFFFFF, s13;
	s19 =	sand.u32 @!p0 $0xF0, s19;
	s17 =	sor.u32 @!p0 s18, s17  }
0x1d: {  	s18 =	sshll.u32 @!p0 s12, $0xA;
	s17 =	sor.u32 @!p0 s19, s17;
	s19 =	sshrl.u32 @!p0 s10, $0x1  }
0x1e: {  	s20 =	sxor.u32 @!p0 $0xFFFFFFFF, s13;
	s18 =	sadd.s32 @!p0 s3, s18;
	s19 =	sand.u32 @!p0 $0x380, s19  }
0x1f: {  	s17 =	sshrl.u32 @!p0 s17, $0x4;
	s18 =	sadd.s32 @!p0 s19, s18;
	s19 =	sand.u32 @!p0 $0x7, s10  }
0x20: {  	s17 =	sadd.s32 @!p0 s17, s18;
	s18 =	sshll.u32 @!p0 s20, $0xE;
	s19 =	sshll.u32 @!p0 s19, $0x12  }
0x21: {  	s20 =	simm.s32 @!p0 $0x2000;
	s18 =	sand.u32 @!p0 $0x4000, s18;
	s19 =	sor.u32 @!p0 $0x800, s19  }
0x22: {  	[tilespmem:s18], [sflag:$0x1] =	stream.strided.gather @!p0 [hbm4b:s17+s19], $0x4000, s20, s19, $0x38;
	[tilespmem:$0x10000] =	vst v63  }
0x23: {  	p0 =	sge.u32 s31, s6  }
.Ltmp2:
0x24: {  	_ = 	snop;
	(pc) =	sbr.rel @p0 .LBB1_9-.Ltmp2, $1  }
0x25: {  	_ =	sdelay $0x3  }
0x26: {  	s17 =	sshll.u32 s9, $0x1;
	_ =	swait.ge [sflag:s4], $0x4000  }
0x27: {  	s19 =	sshll.u32 s13, $0xE;
	s21 =	simm.s32 $0x0;
	p0 =	por $0x0, $0x0  }
0x28: {  	s17 =	sand.u32 $0x10000, s17;
	[sflag:s4] =	ssyncset.done $0x0;
	s19 =	sand.u32 $0x4000, s19  }
0x29: {  	s18 =	sshrl.u32 s17, $0x2;
	s20 =	sshrl.u32 s17, $0x2;
	[sflag:s4] =	ssyncadd.s32 $0xFFFFC000  }
0x2a: {  	s17 =	sor.u32 $0x8000, s19;
	s19 =	sadd.s32 $0x8870, s20;
	s20 =	simm.s32 $0x0  }
.LBB1_3:
0x2b: {  	s22 =	simm.s32 $0x1  }
0x2c: {  	s23 =	sshll.u32 s20, $0x1;
	s22 =	simm.s32 @!p0 $0x0  }
0x2d: {  	s23 =	sand.u32 $0xFFFFFC00, s23;
	s22 =	sshll.u32 s22, $0x9  }
0x2e: {  	s22 =	sor.u32 s22, s23  }
0x2f: {  	p1 =	por $0x0, $0x0;
	s22 =	sshrl.u32 s22, $0x2  }
0x30: {  	s24 =	simm.s32 $0x0;
	s23 =	simm.s32 $0x0;
	s22 =	sadd.s32 s22, s19  }
.LBB1_4:
0x31: {  	s25 =	simm.s32 $0x1  }
0x32: {  	s26 =	sshll.u32 s23, $0x2;
	s25 =	simm.s32 @!p1 $0x0  }
0x33: {  	s26 =	sand.u32 $0xFFFFFC00, s26;
	s25 =	sshll.u32 s25, $0x9  }
0x34: {  	s25 =	sor.u32 s25, s26  }
0x35: {  	s25 =	sshrl.u32 s25, $0x2  }
0x36: {  	s25 =	sadd.s32 s25, s18  }
0x37: {  	v1 =	vmov s25;
	_ =	sdelay $0x3  }
0x38: {  	s25 =	simm.s32 $0x0  }
0x39: {  	v2 =	vld.idx.msk [tilespmem:v1+s25+$0x70 ss:$0x1], $0xffff  }
0x3a: {  	v3 =	vld.idx.msk [tilespmem:v1+s25+$0x870 ss:$0x1], $0xffff  }
0x3b: {  	v4 =	vld.idx.msk [tilespmem:v1+s25+$0x0 ss:$0x1], $0xffff  }
0x3c: {  	v5 =	vld.idx.msk [tilespmem:v1+s25+$0x800 ss:$0x1], $0xffff  }
0x3d: {  	v6 =	vld.idx.msk [tilespmem:v1+s25+$0x10 ss:$0x1], $0xffff  }
0x3e: {  	v7 =	vld.idx.msk [tilespmem:v1+s25+$0x810 ss:$0x1], $0xffff;
	_ =	sdelay $0x1  }
0x3f: {  	v0 =	vmov s22;
	v9 =	vld.idx.msk [tilespmem:v1+s25+$0x20 ss:$0x1], $0xffff;
	v8 =	vunpack.i.l.s16.s32 v2  }
0x40: {  	v12 =	vld.idx.msk [tilespmem:v1+s25+$0x820 ss:$0x1], $0xffff;
	v10 =	vunpack.i.l.s16.s32 v3;
	v2 =	vunpack.i.u.s16.s32 v2;
	v3 =	vunpack.i.u.s16.s32 v3  }
0x41: {  	v13 =	vld.idx.msk [tilespmem:v1+s25+$0x30 ss:$0x1], $0xffff;
	v11 =	vunpack.i.u.s16.s32 v4;
	v14 =	vunpack.i.u.s16.s32 v5;
	v5 =	vunpack.i.l.s16.s32 v5  }
0x42: {  	v15 =	vld.idx.msk [tilespmem:v1+s25+$0x830 ss:$0x1], $0xffff;
	v16 =	vunpack.i.u.s16.s32 v6;
	v17 =	vunpack.i.l.s16.s32 v6;
	v18 =	vunpack.i.u.s16.s32 v7  }
0x43: {  	v7 =	vunpack.i.l.s16.s32 v7;
	v6 =	vld.idx.msk [tilespmem:v1+s25+$0x850 ss:$0x1], $0xffff;
	v8 =	vpack.i.b32.b16 v10, v8;
	v10 =	vunpack.i.l.s16.s32 v4  }
0x44: {  	v3 =	vpack.i.b32.b16 v3, v2;
	v2 =	vld.idx.msk [tilespmem:v1+s25+$0x40 ss:$0x1], $0xffff;
	v7 =	vpack.i.b32.b16 v7, v17;
	[tilespmem:v0+s25+$0xFFFFF800 ss:$0x1] =	vst.idx.msk $0xffff, v8  }
0x45: {  	v4 =	vld.idx.msk [tilespmem:v1+s25+$0x840 ss:$0x1], $0xffff;
	v16 =	vpack.i.b32.b16 v18, v16;
	v5 =	vpack.i.b32.b16 v5, v10;
	[tilespmem:v0+s25+$0xFFFFF7A0 ss:$0x1] =	vst.idx.msk $0xffff, v7  }
0x46: {  	v8 =	vunpack.i.u.s16.s32 v9;
	v10 =	vunpack.i.l.s16.s32 v9;
	v9 =	vunpack.i.u.s16.s32 v13;
	[tilespmem:v0+s25+$0x0 ss:$0x1] =	vst.idx.msk $0xffff, v3;
	v3 =	vld.idx.msk [tilespmem:v1+s25+$0x50 ss:$0x1], $0xffff  }
0x47: {  	v13 =	vunpack.i.l.s16.s32 v13;
	v7 =	vld.idx.msk [tilespmem:v1+s25+$0x860 ss:$0x1], $0xffff;
	[tilespmem:v0+s25+$0xFFFFF790 ss:$0x1] =	vst.idx.msk $0xffff, v5;
	v5 =	vpack.i.b32.b16 v14, v11;
	v11 =	vunpack.i.u.s16.s32 v12  }
0x48: {  	s27 =	simm.s32 $0x800;
	s26 =	simm.s32 $0x0;
	v14 =	vunpack.i.l.s16.s32 v12;
	v12 =	vunpack.i.u.s16.s32 v15;
	v15 =	vunpack.i.l.s16.s32 v15;
	[tilespmem:v0+s25+$0xFFFFFF90 ss:$0x1] =	vst.idx.msk $0xffff, v5;
	v5 =	vld.idx.msk [tilespmem:v1+s25+$0x60 ss:$0x1], $0xffff  }
.LBB1_5:
0x49: {  	s28 =	sshra.s32 s27, $0x2;
	[tilespmem:v0+s25+$0xFFFFFFA0 ss:$0x1] =	vst.idx.msk $0xffff, v16;
	v10 =	vpack.i.b32.b16 v14, v10;
	v14 =	vunpack.i.u.s16.s32 v2;
	v2 =	vunpack.i.l.s16.s32 v2  }
0x4a: {  	v8 =	vpack.i.b32.b16 v11, v8;
	v16 =	vld.idx.msk [tilespmem:v1+s28+$0x70 ss:$0x1], $0xffff;
	[tilespmem:v0+s25+$0xFFFFF7B0 ss:$0x1] =	vst.idx.msk $0xffff, v10;
	v10 =	vunpack.i.u.s16.s32 v4;
	v4 =	vunpack.i.l.s16.s32 v4  }
0x4b: {  	s26 =	sadd.s32 $0x80, s26;
	v11 =	vld.idx.msk [tilespmem:v1+s28+$0x870 ss:$0x1], $0xffff;
	[tilespmem:v0+s25+$0xFFFFFFB0 ss:$0x1] =	vst.idx.msk $0xffff, v8;
	v8 =	vpack.i.b32.b16 v15, v13;
	v13 =	vunpack.i.u.s16.s32 v3;
	v3 =	vunpack.i.l.s16.s32 v3  }
0x4c: {  	p2 =	slt.u32 s26, $0x180;
	v15 =	vld.idx.msk [tilespmem:v1+s28+$0x0 ss:$0x1], $0xffff;
	[tilespmem:v0+s25+$0xFFFFF7C0 ss:$0x1] =	vst.idx.msk $0xffff, v8;
	v8 =	vpack.i.b32.b16 v12, v9;
	v9 =	vunpack.i.u.s16.s32 v6;
	v6 =	vunpack.i.l.s16.s32 v6  }
0x4d: {  	v2 =	vpack.i.b32.b16 v4, v2;
	v4 =	vunpack.i.u.s16.s32 v5;
	v5 =	vunpack.i.l.s16.s32 v5;
	v12 =	vld.idx.msk [tilespmem:v1+s28+$0x800 ss:$0x1], $0xffff;
	[tilespmem:v0+s25+$0xFFFFFFC0 ss:$0x1] =	vst.idx.msk $0xffff, v8  }
0x4e: {  	v8 =	vld.idx.msk [tilespmem:v1+s28+$0x10 ss:$0x1], $0xffff;
	[tilespmem:v0+s25+$0xFFFFF7D0 ss:$0x1] =	vst.idx.msk $0xffff, v2;
	v2 =	vpack.i.b32.b16 v10, v14;
	v10 =	vunpack.i.u.s16.s32 v7;
	v7 =	vunpack.i.l.s16.s32 v7  }
0x4f: {  	v3 =	vpack.i.b32.b16 v6, v3;
	v6 =	vpack.i.b32.b16 v9, v13;
	v14 =	vld.idx.msk [tilespmem:v1+s28+$0x810 ss:$0x1], $0xffff;
	v5 =	vpack.i.b32.b16 v7, v5  }
0x50: {  	v9 =	vpack.i.b32.b16 v10, v4;
	v7 =	vld.idx.msk [tilespmem:v1+s28+$0x20 ss:$0x1], $0xffff;
	[tilespmem:v0+s25+$0xFFFFFFD0 ss:$0x1] =	vst.idx.msk $0xffff, v2  }
0x51: {  	v2 =	vunpack.i.l.s16.s32 v16;
	v4 =	vunpack.i.l.s16.s32 v11;
	v13 =	vld.idx.msk [tilespmem:v1+s28+$0x820 ss:$0x1], $0xffff;
	[tilespmem:v0+s25+$0xFFFFF7E0 ss:$0x1] =	vst.idx.msk $0xffff, v3  }
0x52: {  	v10 =	vunpack.i.u.s16.s32 v11;
	v3 =	vunpack.i.u.s16.s32 v16;
	v2 =	vpack.i.b32.b16 v4, v2;
	v17 =	vld.idx.msk [tilespmem:v1+s28+$0x30 ss:$0x1], $0xffff;
	[tilespmem:v0+s25+$0xFFFFFFE0 ss:$0x1] =	vst.idx.msk $0xffff, v6  }
0x53: {  	v11 =	vunpack.i.l.s16.s32 v15;
	v6 =	vunpack.i.u.s16.s32 v15;
	v3 =	vpack.i.b32.b16 v10, v3;
	v15 =	vld.idx.msk [tilespmem:v1+s28+$0x830 ss:$0x1], $0xffff;
	[tilespmem:v0+s28+$0xFFFFF800 ss:$0x1] =	vst.idx.msk $0xffff, v2  }
0x54: {  	v16 =	vunpack.i.u.s16.s32 v12;
	v10 =	vunpack.i.l.s16.s32 v12;
	v12 =	vunpack.i.u.s16.s32 v8;
	v2 =	vld.idx.msk [tilespmem:v1+s28+$0x40 ss:$0x1], $0xffff;
	[tilespmem:v0+s28+$0x0 ss:$0x1] =	vst.idx.msk $0xffff, v3  }
.Ltmp3:
0x55: {  	v18 =	vunpack.i.l.s16.s32 v8;
	v19 =	vunpack.i.u.s16.s32 v14;
	v20 =	vunpack.i.l.s16.s32 v14;
	v4 =	vld.idx.msk [tilespmem:v1+s28+$0x840 ss:$0x1], $0xffff;
	[tilespmem:v0+s25+$0xFFFFF7F0 ss:$0x1] =	vst.idx.msk $0xffff, v5;
	(pc) =	sbr.rel @p2 .LBB1_5-.Ltmp3, $4  }
0x56: {  	v5 =	vpack.i.b32.b16 v10, v11;
	v8 =	vunpack.i.u.s16.s32 v7;
	v10 =	vunpack.i.l.s16.s32 v7;
	v3 =	vld.idx.msk [tilespmem:v1+s28+$0x50 ss:$0x1], $0xffff;
	[tilespmem:v0+s25+$0xFFFFFFF0 ss:$0x1] =	vst.idx.msk $0xffff, v9;
	s25 =	smov.u32 s28  }
0x57: {  	v11 =	vunpack.i.u.s16.s32 v13;
	v14 =	vunpack.i.l.s16.s32 v13;
	[tilespmem:v0+s25+$0xFFFFF790 ss:$0x1] =	vst.idx.msk $0xffff, v5;
	v5 =	vpack.i.b32.b16 v16, v6;
	v6 =	vld.idx.msk [tilespmem:v1+s25+$0x850 ss:$0x1], $0xffff  }
0x58: {  	v7 =	vpack.i.b32.b16 v20, v18;
	v9 =	vunpack.i.u.s16.s32 v17;
	v13 =	vunpack.i.l.s16.s32 v17;
	[tilespmem:v0+s25+$0xFFFFFF90 ss:$0x1] =	vst.idx.msk $0xffff, v5;
	v5 =	vld.idx.msk [tilespmem:v1+s25+$0x60 ss:$0x1], $0xffff  }
0x59: {  	s27 =	sadd.s32 $0x800, s27;
	v16 =	vpack.i.b32.b16 v19, v12;
	v12 =	vunpack.i.u.s16.s32 v15;
	v15 =	vunpack.i.l.s16.s32 v15;
	[tilespmem:v0+s25+$0xFFFFF7A0 ss:$0x1] =	vst.idx.msk $0xffff, v7;
	v7 =	vld.idx.msk [tilespmem:v1+s25+$0x860 ss:$0x1], $0xffff  }
0x5a: {  	_ =	sdelay $0x3  }
0x5b: {  	[tilespmem:v0+s25+$0xFFFFFFA0 ss:$0x1] =	vst.idx.msk $0xffff, v16;
	v1 =	vpack.i.b32.b16 v14, v10  }
0x5c: {  	v46 =	vpack.i.b32.b16 v15, v13;
	[tilespmem:v0+s25+$0xFFFFF7B0 ss:$0x1] =	vst.idx.msk $0xffff, v1  }
0x5d: {  	v45 =	vpack.i.b32.b16 v11, v8;
	[tilespmem:v0+s25+$0xFFFFF7C0 ss:$0x1] =	vst.idx.msk $0xffff, v46  }
0x5e: {  	v47 =	vunpack.i.l.s16.s32 v2;
	v48 =	vunpack.i.l.s16.s32 v4;
	v49 =	vpack.i.b32.b16 v12, v9;
	[tilespmem:v0+s25+$0xFFFFFFB0 ss:$0x1] =	vst.idx.msk $0xffff, v45  }
0x5f: {  	v50 =	vunpack.i.u.s16.s32 v2;
	v51 =	vunpack.i.u.s16.s32 v4;
	v52 =	vpack.i.b32.b16 v48, v47;
	[tilespmem:v0+s25+$0xFFFFFFC0 ss:$0x1] =	vst.idx.msk $0xffff, v49  }
0x60: {  	p2 =	slt.u32 s24, $0x6;
	v53 =	vunpack.i.l.s16.s32 v3;
	v55 =	vpack.i.b32.b16 v51, v50;
	v54 =	vunpack.i.l.s16.s32 v6;
	[tilespmem:v0+s25+$0xFFFFF7D0 ss:$0x1] =	vst.idx.msk $0xffff, v52  }
.Ltmp4:
0x61: {  	v56 =	vunpack.i.u.s16.s32 v3;
	v57 =	vunpack.i.u.s16.s32 v6;
	v58 =	vpack.i.b32.b16 v54, v53;
	[tilespmem:v0+s25+$0xFFFFFFD0 ss:$0x1] =	vst.idx.msk $0xffff, v55;
	(pc) =	sbr.rel @p2 .LBB1_4-.Ltmp4, $4  }
0x62: {  	v59 =	vunpack.i.l.s16.s32 v5;
	v2 =	vpack.i.b32.b16 v57, v56;
	v60 =	vunpack.i.l.s16.s32 v7;
	[tilespmem:v0+s25+$0xFFFFF7E0 ss:$0x1] =	vst.idx.msk $0xffff, v58  }
0x63: {  	v61 =	vunpack.i.u.s16.s32 v5;
	v62 =	vunpack.i.u.s16.s32 v7;
	v1 =	vpack.i.b32.b16 v60, v59;
	[tilespmem:v0+s25+$0xFFFFFFE0 ss:$0x1] =	vst.idx.msk $0xffff, v2  }
0x64: {  	s24 =	sadd.s32 $0x2, s24;
	v63 =	vpack.i.b32.b16 v62, v61;
	[tilespmem:v0+s25+$0xFFFFF7F0 ss:$0x1] =	vst.idx.msk $0xffff, v1  }
0x65: {  	s22 =	sadd.s32 $0x1000, s22;
	s23 =	sadd.s32 $0x80, s23;
	p1 =	por !p1, !p1;
	[tilespmem:v0+s25+$0xFFFFFFF0 ss:$0x1] =	vst.idx.msk $0xffff, v63  }
0x66: {  	p1 =	slt.u32 s21, $0x6  }
.Ltmp5:
0x67: {  	_ = 	snop;
	(pc) =	sbr.rel @p1 .LBB1_3-.Ltmp5, $3  }
0x68: {  	_ =	sdelay $0x1  }
0x69: {  	s22 =	sadd.s32 $0x2, s21;
	s20 =	sadd.s32 $0x100, s20  }
0x6a: {  	p0 =	por !p0, !p0;
	s18 =	sadd.s32 $0x1000, s18;
	s21 =	smov.u32 s22  }
0x6b: {  	s18 =	sshll.u32 s16, $0xB  }
0x6c: {  	s19 =	sshll.u32 s14, $0x3;
	s18 =	sand.u32 $0xFFFFC000, s18  }
0x6d: {  	s18 =	sadd.s32 s18, s19  }
0x6e: {  	s18 =	sshrl.u32 s18, $0xB  }
0x6f: {  	s29 =	sshll.u32 s16, $0x7;
	s21 =	sshll.u32 s14, $0x1;
	s20 =	smulhi.u32 $0x155556, s18  }
0x70: {  	s15 =	smul.u32 $0x60000, s15;
	s16 =	sand.u32 $0x300, s29;
	s19 =	sand.u32 $0x400, s19  }
0x71: {  	s30 =	sand.u32 $0xF0, s21;
	s16 =	sor.u32 s16, s19;
	s20 =	smul.u32 $0xC00, s20  }
.Ltmp6:
0x72: {  	s31 =	sand.u32 $0x7, s14;
	s16 =	sor.u32 s30, s16;
	(pc) =	sbr.rel .LBB1_9-.Ltmp6, $4  }
0x73: {  	s15 =	sadd.s32 s5, s15;
	s16 =	sshrl.u32 s16, $0x4;
	s18 =	ssub.s32 s18, s20  }
0x74: {  	s14 =	sshll.u32 s31, $0x12;
	s15 =	sadd.s32 s16, s15;
	s18 =	sshll.u32 s18, $0x7  }
0x75: {  	s14 =	sor.u32 $0x800, s14;
	s15 =	sadd.s32 s18, s15  }
0x76: {  	[hbm4b:s15+s14] =	stream.strided.scatter [tilespmem:s17], [sflag:$0x2], $0x4000, s8, s14, $0x38;
	[tilespmem:$0x10000] =	vst v63  }
.LBB1_10:
0x77: {  	_ =	sfence.sel $0x180000  }
0x78: {  	s2 =	simm.s32 $0x1;
	[bflag:$0x0] =	sbarrier.arrive $0xFFFF  }
0x79: {  	s31 =	simm.s32 $0x2;
	[sflag:s2] =	ssyncpa.u1 $0x1  }
0x7a: {  	[sflag:s31] =	ssyncpa.u1 $0x1  }
0x7b: {  	p0 =	sne.s32 s0, $0x0;
	_ =	strace $0x90000050  }
0x7c: {  	s0 =	sadd.s32 @!p0 $0x100000, s1;
	[bflag:$0x2] =	sbarrier.arrive $0xFFFF  }
0x7d: {  	[sflag:s0] =	ssyncadd.tile.s32 @!p0 $0x1;
	_ =	shalt  }
.Lfunc_end1:
_tile_overlayer_lowered:
.L_overlay_start_2:
0x7e: {  	(tag) =	ssettag $0x2  }
0x7f: {  	s0 =	rddreg [dreg:$0x0];
	s2 =	stileid.u32  }
0x80: {  	s1 =	rddreg [dreg:$0x1];
	p0 =	sne.s32 s2, $0x0  }
0x81: {  	s3 =	rddreg [dreg:$0x2];
	[bflag:$0x3] =	sbarrier.arrive $0xFFFF;
	s2 =	simm.s32 @!p0 $0x1C01  }
0x82: {  	[timem:s3], [sflag:s2] =	dma.local @!p0 [hbm:s0], s1  }
0x83: {  	s0 =	simm.s32 @!p0 $0x1  }
0x84: {  	_ =	swait.ge @!p0 [sflag:s0], s1  }
0x85: {  	s1 =	ssub.s32 @!p0 $0x0, s1;
	[sflag:s0] =	ssyncset.done @!p0 $0x0  }
0x86: {  	[sflag:s0] =	ssyncadd.s32 @!p0 s1  }
0x87: {  	[bflag:$0x3] =	sbarrier.arrive $0xFFFF  }
0x88: {  	_ =	shalt  }

</sc_bundles>
